<compile_context>
chip_gen: v7x
topology: tpu7x:2x2x1
jax: 0.10.2.dev20260603
libtpu: 0.0.44.dev20260713+nightly
codegen_flags: <defaults>
</compile_context>

<pallas_src>
import functools

import jax
import jax.numpy as jnp
import numpy as np
from jax import lax
from jax.experimental import pallas as pl
from jax.experimental.pallas import tpu as pltpu
from jax.experimental.pallas import tpu_sc as plsc

N = 10000
E = 320000
H = 128
G = 64
NLAYERS = 4

_NC = 2
_NS = 16
_EPAD = 327680
_EPW = _EPAD // (_NC * _NS)
_CHUNK = 128
_NCHNK = _EPW // _CHUNK
_NPAD = 10240
_RPT = _NPAD // _NS

_BNS = float(1.0 / np.sqrt(np.float32(1.0 + 1e-5)))


def _sc_agg_kernel(h_hbm, src_hbm, dst_hbm, zero_hbm, out_hbm,
                   srcv, dstv, rows0, acc, sem0, sem1):
    c = lax.axis_index("c")
    s = lax.axis_index("s")
    pltpu.sync_copy(zero_hbm.at[pl.ds(s * _RPT, _RPT)],
                    acc.at[pl.ds(s * _RPT, _RPT)])
    plsc.subcore_barrier()

    pltpu.sync_copy(src_hbm.at[c, s], srcv)
    pltpu.sync_copy(dst_hbm.at[c, s], dstv)

    pltpu.async_copy(h_hbm.at[srcv.at[0]], rows0, sem0).wait()
    pltpu.async_copy(rows0, acc.at[dstv.at[0]], sem1, add=True)

    def body(j, carry):
        pltpu.make_async_copy(rows0, acc.at[dstv.at[j]], sem1).wait()
        pltpu.async_copy(h_hbm.at[srcv.at[j]], rows0, sem0).wait()
        pltpu.async_copy(rows0, acc.at[dstv.at[j]], sem1, add=True)
        return carry

    lax.fori_loop(1, _NCHNK, body, 0)
    pltpu.make_async_copy(rows0, acc.at[dstv.at[0]], sem1).wait()
    plsc.subcore_barrier()
    pltpu.sync_copy(acc.at[pl.ds(s * _RPT, _RPT)],
                    out_hbm.at[c, pl.ds(s * _RPT, _RPT)])


def _sc_agg(h, src4, dst4, zeros):
    mesh = plsc.VectorSubcoreMesh(core_axis_name="c", subcore_axis_name="s")
    f = functools.partial(
        pl.kernel,
        out_type=jax.ShapeDtypeStruct((_NC, _NPAD, H), jnp.float32),
        mesh=mesh,
        scratch_types=[
            pltpu.VMEM((_NCHNK, _CHUNK), jnp.int32),
            pltpu.VMEM((_NCHNK, _CHUNK), jnp.int32),
            pltpu.VMEM((_CHUNK, H), jnp.float32),
            pltpu.VMEM_SHARED((_NPAD, H), jnp.float32),
            pltpu.SemaphoreType.DMA,
            pltpu.SemaphoreType.DMA,
        ],
    )(_sc_agg_kernel)
    return f(h, src4, dst4, zeros)


_BR = 2000


def _embed_body(x_ref, w_ref, b_ref, o_ref):
    o_ref[...] = jnp.maximum(
        jnp.dot(x_ref[...], w_ref[...], preferred_element_type=jnp.float32)
        + b_ref[...], 0.0)


def _embed(x, w, b):
    return pl.pallas_call(
        _embed_body,
        grid=(N // _BR,),
        in_specs=[
            pl.BlockSpec((_BR, H), lambda i: (i, 0)),
            pl.BlockSpec((H, H), lambda i: (0, 0)),
            pl.BlockSpec((1, H), lambda i: (0, 0)),
        ],
        out_specs=pl.BlockSpec((_BR, H), lambda i: (i, 0)),
        out_shape=jax.ShapeDtypeStruct((N, H), jnp.float32),
    )(x, w, b)


def _layer_body(scale_ref, h_ref, a0_ref, a1_ref, w1_ref, b1_ref, g1_ref,
                t1_ref, w2_ref, b2_ref, ng_ref, nb_ref, o_ref):
    h = h_ref[...]
    z = scale_ref[0, 0] * h + a0_ref[...] + a1_ref[...]
    t = jnp.dot(z, w1_ref[...], preferred_element_type=jnp.float32) + b1_ref[...]
    t = jnp.maximum(t * (_BNS * g1_ref[...]) + t1_ref[...], 0.0)
    u = jnp.dot(t, w2_ref[...], preferred_element_type=jnp.float32) + b2_ref[...]
    u = jnp.maximum(u * (_BNS * ng_ref[...]) + nb_ref[...], 0.0)
    o_ref[...] = u + h


def _layer(scale, h, a0, a1, lp):
    return pl.pallas_call(
        _layer_body,
        grid=(N // _BR,),
        in_specs=[
            pl.BlockSpec((1, 1), lambda i: (0, 0)),
            pl.BlockSpec((_BR, H), lambda i: (i, 0)),
            pl.BlockSpec((_BR, H), lambda i: (i, 0)),
            pl.BlockSpec((_BR, H), lambda i: (i, 0)),
            pl.BlockSpec((H, 2 * H), lambda i: (0, 0)),
            pl.BlockSpec((1, 2 * H), lambda i: (0, 0)),
            pl.BlockSpec((1, 2 * H), lambda i: (0, 0)),
            pl.BlockSpec((1, 2 * H), lambda i: (0, 0)),
            pl.BlockSpec((2 * H, H), lambda i: (0, 0)),
            pl.BlockSpec((1, H), lambda i: (0, 0)),
            pl.BlockSpec((1, H), lambda i: (0, 0)),
            pl.BlockSpec((1, H), lambda i: (0, 0)),
        ],
        out_specs=pl.BlockSpec((_BR, H), lambda i: (i, 0)),
        out_shape=jax.ShapeDtypeStruct((N, H), jnp.float32),
    )(scale, h, a0, a1,
      lp['W1'], lp['b1'].reshape(1, -1), lp['bn1_g'].reshape(1, -1),
      lp['bn1_b'].reshape(1, -1), lp['W2'], lp['b2'].reshape(1, -1),
      lp['n_g'].reshape(1, -1), lp['n_b'].reshape(1, -1))


_PBR = 1000


def _pool_body(bsm_ref, oh_ref, bf_ref, h1_ref, h2_ref, h3_ref, h4_ref,
               w1, b1, g1, t1, w2, b2, g2, t2, w3, b3, g3, t3, w4, b4,
               o_ref, sum_ref, cnt_ref, max_ref):
    i = pl.program_id(0)

    @pl.when(i == 0)
    def _():
        sum_ref[...] = jnp.zeros_like(sum_ref)
        cnt_ref[...] = jnp.zeros_like(cnt_ref)
        max_ref[...] = jnp.full_like(max_ref, -jnp.inf)

    hj = jnp.concatenate(
        [h1_ref[...], h2_ref[...], h3_ref[...], h4_ref[...]], axis=1)
    oh = oh_ref[...]
    dn = (((0,), (0,)), ((), ()))
    sum_ref[...] += lax.dot_general(oh, hj, dn,
                                    preferred_element_type=jnp.float32)
    ones = jnp.ones((oh.shape[0], 1), jnp.float32)
    cnt_ref[...] += jnp.broadcast_to(
        lax.dot_general(oh, ones, dn, preferred_element_type=jnp.float32),
        cnt_ref.shape)
    lo = bsm_ref[i * _PBR]
    hi = bsm_ref[i * _PBR + _PBR - 1]
    bf = bf_ref[...]

    def gbody(g, carry):
        sel = jnp.where(bf == g.astype(jnp.float32), hj, -jnp.inf)
        pmax = jnp.max(sel, axis=0, keepdims=True)
        max_ref[pl.ds(g, 1), :] = jnp.maximum(max_ref[pl.ds(g, 1), :], pmax)
        return carry

    lax.fori_loop(lo, hi + 1, gbody, 0)

    @pl.when(i == (N // _PBR) - 1)
    def _():
        cnt = cnt_ref[:, 0:1]
        mean = sum_ref[...] / jnp.maximum(cnt, 1.0)
        mx = max_ref[...]
        mx = jnp.where(jnp.isfinite(mx), mx, 0.0)
        z = jnp.concatenate([mean, mx], axis=1)
        z = jnp.dot(z, w1[...], preferred_element_type=jnp.float32) + b1[...]
        z = jnp.maximum(z * (_BNS * g1[...]) + t1[...], 0.0)
        z = jnp.dot(z, w2[...], preferred_element_type=jnp.float32) + b2[...]
        z = jnp.maximum(z * (_BNS * g2[...]) + t2[...], 0.0)
        z = jnp.dot(z, w3[...], preferred_element_type=jnp.float32) + b3[...]
        z = jnp.maximum(z * (_BNS * g3[...]) + t3[...], 0.0)
        o_ref[...] = (jnp.dot(z, w4[...], preferred_element_type=jnp.float32)
                      + b4[...])


def _pool_head(batch_col, onehot, batchf, hs, p):
    args = [batch_col, onehot, batchf] + list(hs)
    for i in (1, 2, 3):
        args += [p['W%d' % i], p['b%d' % i].reshape(1, -1),
                 p['g%d' % i].reshape(1, -1), p['bt%d' % i].reshape(1, -1)]
    args += [p['W4'], p['b4'].reshape(1, -1)]
    in_specs = [
        pl.BlockSpec(memory_space=pltpu.SMEM),
        pl.BlockSpec((_PBR, G), lambda i: (i, 0)),
        pl.BlockSpec((_PBR, 1), lambda i: (i, 0)),
        pl.BlockSpec((_PBR, H), lambda i: (i, 0)),
        pl.BlockSpec((_PBR, H), lambda i: (i, 0)),
        pl.BlockSpec((_PBR, H), lambda i: (i, 0)),
        pl.BlockSpec((_PBR, H), lambda i: (i, 0)),
    ]
    for a in args[7:]:
        in_specs.append(pl.BlockSpec(a.shape, lambda i: (0, 0)))
    out, _, _, _ = pl.pallas_call(
        _pool_body,
        grid=(N // _PBR,),
        in_specs=in_specs,
        out_specs=[
            pl.BlockSpec((G, 1), lambda i: (0, 0)),
            pl.BlockSpec((G, NLAYERS * H), lambda i: (0, 0)),
            pl.BlockSpec((G, H), lambda i: (0, 0)),
            pl.BlockSpec((G, NLAYERS * H), lambda i: (0, 0)),
        ],
        out_shape=[
            jax.ShapeDtypeStruct((G, 1), jnp.float32),
            jax.ShapeDtypeStruct((G, NLAYERS * H), jnp.float32),
            jax.ShapeDtypeStruct((G, H), jnp.float32),
            jax.ShapeDtypeStruct((G, NLAYERS * H), jnp.float32),
        ],
    )(*args)
    return out


def kernel(x, edge_index, batch, params):
    nw = _NC * _NS
    ppw = _EPW - E // nw
    pad_src = (jnp.arange(nw * ppw, dtype=edge_index.dtype) % N
               ).reshape(nw, ppw)
    pad_dst = (N + jnp.arange(nw * ppw, dtype=edge_index.dtype) % (_NPAD - N)
               ).reshape(nw, ppw)
    src4 = jnp.concatenate(
        [edge_index[0].reshape(nw, -1), pad_src], axis=1
    ).reshape(_NC, _NS, _NCHNK, _CHUNK)
    dst4 = jnp.concatenate(
        [edge_index[1].reshape(nw, -1), pad_dst], axis=1
    ).reshape(_NC, _NS, _NCHNK, _CHUNK)
    zeros = jnp.zeros((_NPAD, H), jnp.float32)

    h = _embed(x, params['W_emb'], params['b_emb'].reshape(1, -1))
    outs = []
    for lp in params['layers']:
        agg = _sc_agg(h, src4, dst4, zeros)
        scale = (1.0 + lp['eps']).astype(jnp.float32).reshape(1, 1)
        h = _layer(scale, h, agg[0], agg[1], lp)
        outs.append(h)

    batch_col = batch
    onehot = (batch[:, None] == jnp.arange(G, dtype=batch.dtype)[None, :]
              ).astype(jnp.float32)
    batchf = batch.astype(jnp.float32).reshape(N, 1)
    return _pool_head(batch_col, onehot, batchf, outs, params['pred'])

# --- scband reference (transcript-rebuilt; emitter-appended) ---
"""Pipeline reference for scband-ginmolecular-predictor-49546742726915 (READ-ONLY COPY).

The authoritative reference and input builder live on the scoring server;
editing this copy changes nothing except your own understanding.
"""

import jax, jax.numpy as jnp
import numpy as np

N = 10000
E = 320000
F_IN = 128
H = 128
L = 4
G = 64

def _bn(x, gamma, beta):
    # BatchNorm in eval mode with running_mean=0, running_var=1
    return (x / jnp.sqrt(1.0 + 1e-5)) * gamma + beta

def setup_inputs(seed: int = 0):
    key = jax.random.key(seed)
    ks = jax.random.split(key, 40)
    _ki = iter(range(40))
    def nk():
        return ks[next(_ki)]
    x = jax.random.normal(nk(), (N, F_IN), dtype=jnp.float32)
    edge_index = jax.random.randint(nk(), (2, E), 0, N, dtype=jnp.int32)
    batch = jnp.sort(jax.random.randint(nk(), (N,), 0, G, dtype=jnp.int32))
    def w(shape):
        return jax.random.normal(nk(), shape, dtype=jnp.float32) * 0.02
    params = {'W_emb': w((F_IN, H)), 'b_emb': w((H,)), 'layers': [], 'pred': {}}
    for _ in range(L):
        lp = {
            'eps': jnp.zeros(()),
            'W1': w((H, 2 * H)), 'b1': w((2 * H,)),
            'bn1_g': jnp.ones((2 * H,)), 'bn1_b': jnp.zeros((2 * H,)),
            'W2': w((2 * H, H)), 'b2': w((H,)),
            'n_g': jnp.ones((H,)), 'n_b': jnp.zeros((H,)),
        }
        params['layers'].append(lp)
    jk_dim = H * L
    pool_dim = jk_dim * 2
    dims = [(pool_dim, 2 * H), (2 * H, H), (H, H // 2)]
    pred = {}
    for i, (di, do) in enumerate(dims, start=1):
        pred['W%d' % i] = w((di, do))
        pred['b%d' % i] = w((do,))
        pred['g%d' % i] = jnp.ones((do,))
        pred['bt%d' % i] = jnp.zeros((do,))
    pred['W4'] = w((H // 2, 1))
    pred['b4'] = w((1,))
    params['pred'] = pred
    return {'x': x, 'edge_index': edge_index, 'batch': batch, 'params': params}

def _forward(x, params, edge_index, batch):
    # node embedding + relu (dropout = identity in eval)
    h = jax.nn.relu(x @ params['W_emb'] + params['b_emb'])
    res = h
    src = edge_index[0]
    dst = edge_index[1]
    outs = []
    for lp in params['layers']:
        # GINConv: nn((1+eps)*x + sum over neighbors)
        agg = jax.ops.segment_sum(h[src], dst, num_segments=N)
        z = (1.0 + lp['eps']) * h + agg
        # MLP inside GINConv: Linear -> BN -> ReLU -> (Dropout) -> Linear
        z = z @ lp['W1'] + lp['b1']
        z = jax.nn.relu(_bn(z, lp['bn1_g'], lp['bn1_b']))
        z = z @ lp['W2'] + lp['b2']
        # outer BatchNorm + ReLU + residual
        z = jax.nn.relu(_bn(z, lp['n_g'], lp['n_b']))
        z = z + res
        res = z
        h = z
        outs.append(z)
    # Jumping Knowledge 'cat'
    hj = jnp.concatenate(outs, axis=1)
    # meanmax global pooling per graph
    s = jax.ops.segment_sum(hj, batch, num_segments=G)
    cnt = jax.ops.segment_sum(jnp.ones((hj.shape[0],), dtype=hj.dtype), batch, num_segments=G)
    mean = s / jnp.maximum(cnt, 1.0)[:, None]
    mx = jax.ops.segment_max(hj, batch, num_segments=G)
    mx = jnp.where(jnp.isfinite(mx), mx, 0.0)
    g = jnp.concatenate([mean, mx], axis=1)
    # predictor head
    p = params['pred']
    z = jax.nn.relu(_bn(g @ p['W1'] + p['b1'], p['g1'], p['bt1']))
    z = jax.nn.relu(_bn(z @ p['W2'] + p['b2'], p['g2'], p['bt2']))
    z = jax.nn.relu(_bn(z @ p['W3'] + p['b3'], p['g3'], p['bt3']))
    logits = z @ p['W4'] + p['b4']
    return logits

def reference(x, edge_index, batch, params):
    return _forward(x, params, edge_index, batch)

if __name__ == "__main__":
    import jax
    _d = setup_inputs()
    print(jax.jit(kernel)(*tuple(_d.values())))

</pallas_src>

<mosaic_0001>
#map = affine_map<(d0, d1) -> (0, 0)>
#map1 = affine_map<(d0, d1) -> (0, 0, 0, 0)>
#map2 = affine_map<(d0, d1) -> (0, 0, 0)>
module attributes {stable_mosaic.version = 14 : i64} {
  func.func @_sc_agg_kernel(%arg0: i32, %arg1: i32, %arg2: memref<10000x128xf32, #tpu.memory_space<hbm>>, %arg3: memref<2x16x80x128xi32, #tpu.memory_space<hbm>>, %arg4: memref<2x16x80x128xi32, #tpu.memory_space<hbm>>, %arg5: memref<10240x128xf32, #tpu.memory_space<hbm>>, %arg6: memref<2x10240x128xf32, #tpu.memory_space<hbm>>, %arg7: memref<80x128xi32, #tpu.memory_space<vmem>>, %arg8: memref<80x128xi32, #tpu.memory_space<vmem>>, %arg9: memref<128x128xf32, #tpu.memory_space<vmem>>, %arg10: memref<10240x128xf32, #tpu.memory_space<vmem_shared>>, %arg11: memref<!tpu.dma_semaphore, #tpu.memory_space<semaphore_mem>>, %arg12: memref<!tpu.dma_semaphore, #tpu.memory_space<semaphore_mem>>) attributes {dimension_semantics = [#tpu.dimension_semantics<core_parallel>, #tpu.dimension_semantics<subcore_parallel>], iteration_bounds = array<i64: 2, 16>, scalar_prefetch = 0 : i64, scratch_operands = 6 : i64, tpu.core_type = #tpu.core_type<sc_vector_subcore>, window_params = [{transform_indices = #map}, {transform_indices = #map1}, {transform_indices = #map1}, {transform_indices = #map}, {transform_indices = #map2}]} {
    %mul3A = arith.constant 640 : i32
    %mul3A_0 = arith.muli %arg1, %mul3A : i32
    %mul3A_1 = arith.constant 640 : i32
    %mul3A_2 = arith.muli %arg1, %mul3A_1 : i32
    "tpu.region"() ({
      %run_scoped3A = tpu.sem_alloc : memref<!tpu.dma_semaphore, #tpu.memory_space<semaphore_mem>>
      %dma_start3A_39 = arith.constant 0 : i32
      %dma_start3A_40 = tpu.memref_slice %arg10[%mul3A_2, %dma_start3A_39] : memref<10240x128xf32, #tpu.memory_space<vmem_shared>> -> memref<640x128xf32, #tpu.memory_space<vmem_shared>>
      %dma_start3A_41 = arith.constant 0 : i32
      %dma_start3A_42 = tpu.memref_slice %arg5[%mul3A_0, %dma_start3A_41] : memref<10240x128xf32, #tpu.memory_space<hbm>> -> memref<640x128xf32, #tpu.memory_space<hbm>>
      tpu.enqueue_dma source(%dma_start3A_42 : memref<640x128xf32, #tpu.memory_space<hbm>>) target(%dma_start3A_40 : memref<640x128xf32, #tpu.memory_space<vmem_shared>>) target_semaphore(%run_scoped3A : memref<!tpu.dma_semaphore, #tpu.memory_space<semaphore_mem>>)
      %dma_wait3A_43 = arith.constant 0 : i32
      %dma_wait3A_44 = tpu.memref_slice %arg10[%mul3A_2, %dma_wait3A_43] : memref<10240x128xf32, #tpu.memory_space<vmem_shared>> -> memref<640x128xf32, #tpu.memory_space<vmem_shared>>
      %dma_wait3A_45 = arith.constant 0 : i32
      %dma_wait3A_46 = tpu.memref_slice %arg5[%mul3A_0, %dma_wait3A_45] : memref<10240x128xf32, #tpu.memory_space<hbm>> -> memref<640x128xf32, #tpu.memory_space<hbm>>
      tpu.wait_dma2 semaphore(%run_scoped3A : memref<!tpu.dma_semaphore, #tpu.memory_space<semaphore_mem>>) src(%dma_wait3A_46 : memref<640x128xf32, #tpu.memory_space<hbm>>) dst(%dma_wait3A_44 : memref<640x128xf32, #tpu.memory_space<vmem_shared>>)
      tpu.yield
    }) : () -> ()
    %barrier3A = arith.constant 0 : index
    tpu.barrier barrier_id(%barrier3A)
    "tpu.region"() ({
      %run_scoped3A = tpu.sem_alloc : memref<!tpu.dma_semaphore, #tpu.memory_space<semaphore_mem>>
      %dma_start3A_39 = arith.constant 0 : i32
      %dma_start3A_40 = arith.constant 0 : i32
      %dma_start3A_41 = tpu.memref_slice %arg3[%arg0, %arg1, %dma_start3A_39, %dma_start3A_40] : memref<2x16x80x128xi32, #tpu.memory_space<hbm>> -> memref<1x1x80x128xi32, #tpu.memory_space<hbm>>
      %dma_start3A_42 = tpu.memref_squeeze %dma_start3A_41 : memref<1x1x80x128xi32, #tpu.memory_space<hbm>> -> memref<80x128xi32, #tpu.memory_space<hbm>>
      %dma_start3A_43 = arith.constant 0 : i32
      %dma_start3A_44 = arith.constant 0 : i32
      %dma_start3A_45 = tpu.memref_slice %arg3[%arg0, %arg1, %dma_start3A_43, %dma_start3A_44] : memref<2x16x80x128xi32, #tpu.memory_space<hbm>> -> memref<1x1x80x128xi32, #tpu.memory_space<hbm>>
      %dma_start3A_46 = tpu.memref_squeeze %dma_start3A_45 : memref<1x1x80x128xi32, #tpu.memory_space<hbm>> -> memref<80x128xi32, #tpu.memory_space<hbm>>
      tpu.enqueue_dma source(%dma_start3A_46 : memref<80x128xi32, #tpu.memory_space<hbm>>) target(%arg7 : memref<80x128xi32, #tpu.memory_space<vmem>>) target_semaphore(%run_scoped3A : memref<!tpu.dma_semaphore, #tpu.memory_space<semaphore_mem>>)
      %dma_wait3A_47 = arith.constant 0 : i32
      %dma_wait3A_48 = arith.constant 0 : i32
      %dma_wait3A_49 = tpu.memref_slice %arg3[%arg0, %arg1, %dma_wait3A_47, %dma_wait3A_48] : memref<2x16x80x128xi32, #tpu.memory_space<hbm>> -> memref<1x1x80x128xi32, #tpu.memory_space<hbm>>
      %dma_wait3A_50 = tpu.memref_squeeze %dma_wait3A_49 : memref<1x1x80x128xi32, #tpu.memory_space<hbm>> -> memref<80x128xi32, #tpu.memory_space<hbm>>
      %dma_wait3A_51 = arith.constant 0 : i32
      %dma_wait3A_52 = arith.constant 0 : i32
      %dma_wait3A_53 = tpu.memref_slice %arg3[%arg0, %arg1, %dma_wait3A_51, %dma_wait3A_52] : memref<2x16x80x128xi32, #tpu.memory_space<hbm>> -> memref<1x1x80x128xi32, #tpu.memory_space<hbm>>
      %dma_wait3A_54 = tpu.memref_squeeze %dma_wait3A_53 : memref<1x1x80x128xi32, #tpu.memory_space<hbm>> -> memref<80x128xi32, #tpu.memory_space<hbm>>
      tpu.wait_dma2 semaphore(%run_scoped3A : memref<!tpu.dma_semaphore, #tpu.memory_space<semaphore_mem>>) src(%dma_wait3A_54 : memref<80x128xi32, #tpu.memory_space<hbm>>) dst(%arg7 : memref<80x128xi32, #tpu.memory_space<vmem>>)
      tpu.yield
    }) : () -> ()
    "tpu.region"() ({
      %run_scoped3A = tpu.sem_alloc : memref<!tpu.dma_semaphore, #tpu.memory_space<semaphore_mem>>
      %dma_start3A_39 = arith.constant 0 : i32
      %dma_start3A_40 = arith.constant 0 : i32
      %dma_start3A_41 = tpu.memref_slice %arg4[%arg0, %arg1, %dma_start3A_39, %dma_start3A_40] : memref<2x16x80x128xi32, #tpu.memory_space<hbm>> -> memref<1x1x80x128xi32, #tpu.memory_space<hbm>>
      %dma_start3A_42 = tpu.memref_squeeze %dma_start3A_41 : memref<1x1x80x128xi32, #tpu.memory_space<hbm>> -> memref<80x128xi32, #tpu.memory_space<hbm>>
      %dma_start3A_43 = arith.constant 0 : i32
      %dma_start3A_44 = arith.constant 0 : i32
      %dma_start3A_45 = tpu.memref_slice %arg4[%arg0, %arg1, %dma_start3A_43, %dma_start3A_44] : memref<2x16x80x128xi32, #tpu.memory_space<hbm>> -> memref<1x1x80x128xi32, #tpu.memory_space<hbm>>
      %dma_start3A_46 = tpu.memref_squeeze %dma_start3A_45 : memref<1x1x80x128xi32, #tpu.memory_space<hbm>> -> memref<80x128xi32, #tpu.memory_space<hbm>>
      tpu.enqueue_dma source(%dma_start3A_46 : memref<80x128xi32, #tpu.memory_space<hbm>>) target(%arg8 : memref<80x128xi32, #tpu.memory_space<vmem>>) target_semaphore(%run_scoped3A : memref<!tpu.dma_semaphore, #tpu.memory_space<semaphore_mem>>)
      %dma_wait3A_47 = arith.constant 0 : i32
      %dma_wait3A_48 = arith.constant 0 : i32
      %dma_wait3A_49 = tpu.memref_slice %arg4[%arg0, %arg1, %dma_wait3A_47, %dma_wait3A_48] : memref<2x16x80x128xi32, #tpu.memory_space<hbm>> -> memref<1x1x80x128xi32, #tpu.memory_space<hbm>>
      %dma_wait3A_50 = tpu.memref_squeeze %dma_wait3A_49 : memref<1x1x80x128xi32, #tpu.memory_space<hbm>> -> memref<80x128xi32, #tpu.memory_space<hbm>>
      %dma_wait3A_51 = arith.constant 0 : i32
      %dma_wait3A_52 = arith.constant 0 : i32
      %dma_wait3A_53 = tpu.memref_slice %arg4[%arg0, %arg1, %dma_wait3A_51, %dma_wait3A_52] : memref<2x16x80x128xi32, #tpu.memory_space<hbm>> -> memref<1x1x80x128xi32, #tpu.memory_space<hbm>>
      %dma_wait3A_54 = tpu.memref_squeeze %dma_wait3A_53 : memref<1x1x80x128xi32, #tpu.memory_space<hbm>> -> memref<80x128xi32, #tpu.memory_space<hbm>>
      tpu.wait_dma2 semaphore(%run_scoped3A : memref<!tpu.dma_semaphore, #tpu.memory_space<semaphore_mem>>) src(%dma_wait3A_54 : memref<80x128xi32, #tpu.memory_space<hbm>>) dst(%arg8 : memref<80x128xi32, #tpu.memory_space<vmem>>)
      tpu.yield
    }) : () -> ()
    %dma_start3A = arith.constant 0 : i32
    %dma_start3A_3 = arith.constant 0 : i32
    %dma_start3A_4 = tpu.memref_slice %arg7[%dma_start3A, %dma_start3A_3] : memref<80x128xi32, #tpu.memory_space<vmem>> -> memref<1x128xi32, #tpu.memory_space<vmem>>
    %dma_start3A_5 = tpu.memref_squeeze %dma_start3A_4 : memref<1x128xi32, #tpu.memory_space<vmem>> -> memref<128xi32, #tpu.memory_space<vmem>>
    %dma_start3A_6 = arith.constant 0 : i32
    %dma_start3A_7 = arith.constant 0 : i32
    %dma_start3A_8 = tpu.memref_slice %arg2[%dma_start3A_6, %dma_start3A_7] : memref<10000x128xf32, #tpu.memory_space<hbm>> -> memref<10000x128xf32, #tpu.memory_space<hbm>>
    tpu.enqueue_indirect_dma source(%dma_start3A_8 : memref<10000x128xf32, #tpu.memory_space<hbm>>) target(%arg9 : memref<128x128xf32, #tpu.memory_space<vmem>>) offsets(%dma_start3A_5 : memref<128xi32, #tpu.memory_space<vmem>>) semaphore(%arg11 : memref<!tpu.dma_semaphore, #tpu.memory_space<semaphore_mem>>)
    %dma_wait3A = arith.constant 0 : i32
    %dma_wait3A_9 = arith.constant 0 : i32
    %dma_wait3A_10 = tpu.memref_slice %arg7[%dma_wait3A, %dma_wait3A_9] : memref<80x128xi32, #tpu.memory_space<vmem>> -> memref<1x128xi32, #tpu.memory_space<vmem>>
    %dma_wait3A_11 = tpu.memref_squeeze %dma_wait3A_10 : memref<1x128xi32, #tpu.memory_space<vmem>> -> memref<128xi32, #tpu.memory_space<vmem>>
    %dma_wait3A_12 = arith.constant 0 : i32
    %dma_wait3A_13 = arith.constant 0 : i32
    %dma_wait3A_14 = tpu.memref_slice %arg2[%dma_wait3A_12, %dma_wait3A_13] : memref<10000x128xf32, #tpu.memory_space<hbm>> -> memref<10000x128xf32, #tpu.memory_space<hbm>>
    tpu.wait_indirect_dma semaphore(%arg11 : memref<!tpu.dma_semaphore, #tpu.memory_space<semaphore_mem>>) src(%dma_wait3A_14 : memref<10000x128xf32, #tpu.memory_space<hbm>>) dst(%arg9 : memref<128x128xf32, #tpu.memory_space<vmem>>)
    %dma_start3A_15 = arith.constant 0 : i32
    %dma_start3A_16 = arith.constant 0 : i32
    %dma_start3A_17 = tpu.memref_slice %arg8[%dma_start3A_15, %dma_start3A_16] : memref<80x128xi32, #tpu.memory_space<vmem>> -> memref<1x128xi32, #tpu.memory_space<vmem>>
    %dma_start3A_18 = tpu.memref_squeeze %dma_start3A_17 : memref<1x128xi32, #tpu.memory_space<vmem>> -> memref<128xi32, #tpu.memory_space<vmem>>
    %dma_start3A_19 = arith.constant 0 : i32
    %dma_start3A_20 = arith.constant 0 : i32
    %dma_start3A_21 = tpu.memref_slice %arg10[%dma_start3A_19, %dma_start3A_20] : memref<10240x128xf32, #tpu.memory_space<vmem_shared>> -> memref<10240x128xf32, #tpu.memory_space<vmem_shared>>
    tpu.enqueue_indirect_dma source(%arg9 : memref<128x128xf32, #tpu.memory_space<vmem>>) target(%dma_start3A_21 : memref<10240x128xf32, #tpu.memory_space<vmem_shared>>) offsets(%dma_start3A_18 : memref<128xi32, #tpu.memory_space<vmem>>) semaphore(%arg12 : memref<!tpu.dma_semaphore, #tpu.memory_space<semaphore_mem>>) {add = true}
    %scan3A = arith.constant 0 : i32
    %scan3A_22 = arith.constant 1 : i32
    %scan3A_23 = arith.constant 79 : i32
    %scan3A_24 = arith.addi %scan3A_22, %scan3A_23 : i32
    %scan3A_25 = arith.constant 1 : i32
    scf.for %scan3A_39 = %scan3A_22 to %scan3A_24 step %scan3A_25  : i32 {
      %dma_wait3A_40 = arith.constant 0 : i32
      %dma_wait3A_41 = tpu.memref_slice %arg8[%scan3A_39, %dma_wait3A_40] : memref<80x128xi32, #tpu.memory_space<vmem>> -> memref<1x128xi32, #tpu.memory_space<vmem>>
      %dma_wait3A_42 = tpu.memref_squeeze %dma_wait3A_41 : memref<1x128xi32, #tpu.memory_space<vmem>> -> memref<128xi32, #tpu.memory_space<vmem>>
      %dma_wait3A_43 = arith.constant 0 : i32
      %dma_wait3A_44 = arith.constant 0 : i32
      %dma_wait3A_45 = tpu.memref_slice %arg10[%dma_wait3A_43, %dma_wait3A_44] : memref<10240x128xf32, #tpu.memory_space<vmem_shared>> -> memref<10240x128xf32, #tpu.memory_space<vmem_shared>>
      tpu.wait_indirect_dma semaphore(%arg12 : memref<!tpu.dma_semaphore, #tpu.memory_space<semaphore_mem>>) src(%arg9 : memref<128x128xf32, #tpu.memory_space<vmem>>) dst(%dma_wait3A_45 : memref<10240x128xf32, #tpu.memory_space<vmem_shared>>)
      %dma_start3A_46 = arith.constant 0 : i32
      %dma_start3A_47 = tpu.memref_slice %arg7[%scan3A_39, %dma_start3A_46] : memref<80x128xi32, #tpu.memory_space<vmem>> -> memref<1x128xi32, #tpu.memory_space<vmem>>
      %dma_start3A_48 = tpu.memref_squeeze %dma_start3A_47 : memref<1x128xi32, #tpu.memory_space<vmem>> -> memref<128xi32, #tpu.memory_space<vmem>>
      %dma_start3A_49 = arith.constant 0 : i32
      %dma_start3A_50 = arith.constant 0 : i32
      %dma_start3A_51 = tpu.memref_slice %arg2[%dma_start3A_49, %dma_start3A_50] : memref<10000x128xf32, #tpu.memory_space<hbm>> -> memref<10000x128xf32, #tpu.memory_space<hbm>>
      tpu.enqueue_indirect_dma source(%dma_start3A_51 : memref<10000x128xf32, #tpu.memory_space<hbm>>) target(%arg9 : memref<128x128xf32, #tpu.memory_space<vmem>>) offsets(%dma_start3A_48 : memref<128xi32, #tpu.memory_space<vmem>>) semaphore(%arg11 : memref<!tpu.dma_semaphore, #tpu.memory_space<semaphore_mem>>)
      %dma_wait3A_52 = arith.constant 0 : i32
      %dma_wait3A_53 = tpu.memref_slice %arg7[%scan3A_39, %dma_wait3A_52] : memref<80x128xi32, #tpu.memory_space<vmem>> -> memref<1x128xi32, #tpu.memory_space<vmem>>
      %dma_wait3A_54 = tpu.memref_squeeze %dma_wait3A_53 : memref<1x128xi32, #tpu.memory_space<vmem>> -> memref<128xi32, #tpu.memory_space<vmem>>
      %dma_wait3A_55 = arith.constant 0 : i32
      %dma_wait3A_56 = arith.constant 0 : i32
      %dma_wait3A_57 = tpu.memref_slice %arg2[%dma_wait3A_55, %dma_wait3A_56] : memref<10000x128xf32, #tpu.memory_space<hbm>> -> memref<10000x128xf32, #tpu.memory_space<hbm>>
      tpu.wait_indirect_dma semaphore(%arg11 : memref<!tpu.dma_semaphore, #tpu.memory_space<semaphore_mem>>) src(%dma_wait3A_57 : memref<10000x128xf32, #tpu.memory_space<hbm>>) dst(%arg9 : memref<128x128xf32, #tpu.memory_space<vmem>>)
      %dma_start3A_58 = arith.constant 0 : i32
      %dma_start3A_59 = tpu.memref_slice %arg8[%scan3A_39, %dma_start3A_58] : memref<80x128xi32, #tpu.memory_space<vmem>> -> memref<1x128xi32, #tpu.memory_space<vmem>>
      %dma_start3A_60 = tpu.memref_squeeze %dma_start3A_59 : memref<1x128xi32, #tpu.memory_space<vmem>> -> memref<128xi32, #tpu.memory_space<vmem>>
      %dma_start3A_61 = arith.constant 0 : i32
      %dma_start3A_62 = arith.constant 0 : i32
      %dma_start3A_63 = tpu.memref_slice %arg10[%dma_start3A_61, %dma_start3A_62] : memref<10240x128xf32, #tpu.memory_space<vmem_shared>> -> memref<10240x128xf32, #tpu.memory_space<vmem_shared>>
      tpu.enqueue_indirect_dma source(%arg9 : memref<128x128xf32, #tpu.memory_space<vmem>>) target(%dma_start3A_63 : memref<10240x128xf32, #tpu.memory_space<vmem_shared>>) offsets(%dma_start3A_60 : memref<128xi32, #tpu.memory_space<vmem>>) semaphore(%arg12 : memref<!tpu.dma_semaphore, #tpu.memory_space<semaphore_mem>>) {add = true}
    }
    %scan3A_26 = arith.constant 79 : i32
    %dma_wait3A_27 = arith.constant 0 : i32
    %dma_wait3A_28 = arith.constant 0 : i32
    %dma_wait3A_29 = tpu.memref_slice %arg8[%dma_wait3A_27, %dma_wait3A_28] : memref<80x128xi32, #tpu.memory_space<vmem>> -> memref<1x128xi32, #tpu.memory_space<vmem>>
    %dma_wait3A_30 = tpu.memref_squeeze %dma_wait3A_29 : memref<1x128xi32, #tpu.memory_space<vmem>> -> memref<128xi32, #tpu.memory_space<vmem>>
    %dma_wait3A_31 = arith.constant 0 : i32
    %dma_wait3A_32 = arith.constant 0 : i32
    %dma_wait3A_33 = tpu.memref_slice %arg10[%dma_wait3A_31, %dma_wait3A_32] : memref<10240x128xf32, #tpu.memory_space<vmem_shared>> -> memref<10240x128xf32, #tpu.memory_space<vmem_shared>>
    tpu.wait_indirect_dma semaphore(%arg12 : memref<!tpu.dma_semaphore, #tpu.memory_space<semaphore_mem>>) src(%arg9 : memref<128x128xf32, #tpu.memory_space<vmem>>) dst(%dma_wait3A_33 : memref<10240x128xf32, #tpu.memory_space<vmem_shared>>)
    %barrier3A_34 = arith.constant 0 : index
    tpu.barrier barrier_id(%barrier3A_34)
    %mul3A_35 = arith.constant 640 : i32
    %mul3A_36 = arith.muli %arg1, %mul3A_35 : i32
    %mul3A_37 = arith.constant 640 : i32
    %mul3A_38 = arith.muli %arg1, %mul3A_37 : i32
    "tpu.region"() ({
      %run_scoped3A = tpu.sem_alloc : memref<!tpu.dma_semaphore, #tpu.memory_space<semaphore_mem>>
      %dma_start3A_39 = arith.constant 0 : i32
      %dma_start3A_40 = tpu.memref_slice %arg6[%arg0, %mul3A_38, %dma_start3A_39] : memref<2x10240x128xf32, #tpu.memory_space<hbm>> -> memref<1x640x128xf32, #tpu.memory_space<hbm>>
      %dma_start3A_41 = tpu.memref_squeeze %dma_start3A_40 : memref<1x640x128xf32, #tpu.memory_space<hbm>> -> memref<640x128xf32, #tpu.memory_space<hbm>>
      %dma_start3A_42 = arith.constant 0 : i32
      %dma_start3A_43 = tpu.memref_slice %arg10[%mul3A_36, %dma_start3A_42] : memref<10240x128xf32, #tpu.memory_space<vmem_shared>> -> memref<640x128xf32, #tpu.memory_space<vmem_shared>>
      tpu.enqueue_dma source(%dma_start3A_43 : memref<640x128xf32, #tpu.memory_space<vmem_shared>>) target(%dma_start3A_41 : memref<640x128xf32, #tpu.memory_space<hbm>>) target_semaphore(%run_scoped3A : memref<!tpu.dma_semaphore, #tpu.memory_space<semaphore_mem>>)
      %dma_wait3A_44 = arith.constant 0 : i32
      %dma_wait3A_45 = tpu.memref_slice %arg6[%arg0, %mul3A_38, %dma_wait3A_44] : memref<2x10240x128xf32, #tpu.memory_space<hbm>> -> memref<1x640x128xf32, #tpu.memory_space<hbm>>
      %dma_wait3A_46 = tpu.memref_squeeze %dma_wait3A_45 : memref<1x640x128xf32, #tpu.memory_space<hbm>> -> memref<640x128xf32, #tpu.memory_space<hbm>>
      %dma_wait3A_47 = arith.constant 0 : i32
      %dma_wait3A_48 = tpu.memref_slice %arg10[%mul3A_36, %dma_wait3A_47] : memref<10240x128xf32, #tpu.memory_space<vmem_shared>> -> memref<640x128xf32, #tpu.memory_space<vmem_shared>>
      tpu.wait_dma2 semaphore(%run_scoped3A : memref<!tpu.dma_semaphore, #tpu.memory_space<semaphore_mem>>) src(%dma_wait3A_48 : memref<640x128xf32, #tpu.memory_space<vmem_shared>>) dst(%dma_wait3A_46 : memref<640x128xf32, #tpu.memory_space<hbm>>)
      tpu.yield
    }) : () -> ()
    return
  }
}

#map = affine_map<(d0, d1) -> (0, 0)>
#map1 = affine_map<(d0, d1) -> (0, 0, 0, 0)>
#map2 = affine_map<(d0, d1) -> (0, 0, 0)>
module attributes {stable_mosaic.version = 14 : i64} {
  func.func @_sc_agg_kernel(%arg0: i32, %arg1: i32, %arg2: memref<10000x128xf32, #tpu.memory_space<hbm>>, %arg3: memref<2x16x80x128xi32, #tpu.memory_space<hbm>>, %arg4: memref<2x16x80x128xi32, #tpu.memory_space<hbm>>, %arg5: memref<10240x128xf32, #tpu.memory_space<hbm>>, %arg6: memref<2x10240x128xf32, #tpu.memory_space<hbm>>, %arg7: memref<80x128xi32, #tpu.memory_space<vmem>>, %arg8: memref<80x128xi32, #tpu.memory_space<vmem>>, %arg9: memref<128x128xf32, #tpu.memory_space<vmem>>, %arg10: memref<10240x128xf32, #tpu.memory_space<vmem_shared>>, %arg11: memref<!tpu.dma_semaphore, #tpu.memory_space<semaphore_mem>>, %arg12: memref<!tpu.dma_semaphore, #tpu.memory_space<semaphore_mem>>) attributes {dimension_semantics = [#tpu.dimension_semantics<core_parallel>, #tpu.dimension_semantics<subcore_parallel>], iteration_bounds = array<i64: 2, 16>, scalar_prefetch = 0 : i64, scratch_operands = 6 : i64, tpu.core_type = #tpu.core_type<sc_vector_subcore>, window_params = [{transform_indices = #map}, {transform_indices = #map1}, {transform_indices = #map1}, {transform_indices = #map}, {transform_indices = #map2}]} {
    %mul3A = arith.constant 640 : i32
    %mul3A_0 = arith.muli %arg1, %mul3A : i32
    %mul3A_1 = arith.constant 640 : i32
    %mul3A_2 = arith.muli %arg1, %mul3A_1 : i32
    "tpu.region"() ({
      %run_scoped3A = tpu.sem_alloc : memref<!tpu.dma_semaphore, #tpu.memory_space<semaphore_mem>>
      %dma_start3A_39 = arith.constant 0 : i32
      %dma_start3A_40 = tpu.memref_slice %arg10[%mul3A_2, %dma_start3A_39] : memref<10240x128xf32, #tpu.memory_space<vmem_shared>> -> memref<640x128xf32, #tpu.memory_space<vmem_shared>>
      %dma_start3A_41 = arith.constant 0 : i32
      %dma_start3A_42 = tpu.memref_slice %arg5[%mul3A_0, %dma_start3A_41] : memref<10240x128xf32, #tpu.memory_space<hbm>> -> memref<640x128xf32, #tpu.memory_space<hbm>>
      tpu.enqueue_dma source(%dma_start3A_42 : memref<640x128xf32, #tpu.memory_space<hbm>>) target(%dma_start3A_40 : memref<640x128xf32, #tpu.memory_space<vmem_shared>>) target_semaphore(%run_scoped3A : memref<!tpu.dma_semaphore, #tpu.memory_space<semaphore_mem>>)
      %dma_wait3A_43 = arith.constant 0 : i32
      %dma_wait3A_44 = tpu.memref_slice %arg10[%mul3A_2, %dma_wait3A_43] : memref<10240x128xf32, #tpu.memory_space<vmem_shared>> -> memref<640x128xf32, #tpu.memory_space<vmem_shared>>
      %dma_wait3A_45 = arith.constant 0 : i32
      %dma_wait3A_46 = tpu.memref_slice %arg5[%mul3A_0, %dma_wait3A_45] : memref<10240x128xf32, #tpu.memory_space<hbm>> -> memref<640x128xf32, #tpu.memory_space<hbm>>
      tpu.wait_dma2 semaphore(%run_scoped3A : memref<!tpu.dma_semaphore, #tpu.memory_space<semaphore_mem>>) src(%dma_wait3A_46 : memref<640x128xf32, #tpu.memory_space<hbm>>) dst(%dma_wait3A_44 : memref<640x128xf32, #tpu.memory_space<vmem_shared>>)
      tpu.yield
    }) : () -> ()
    %barrier3A = arith.constant 0 : index
    tpu.barrier barrier_id(%barrier3A)
    "tpu.region"() ({
      %run_scoped3A = tpu.sem_alloc : memref<!tpu.dma_semaphore, #tpu.memory_space<semaphore_mem>>
      %dma_start3A_39 = arith.constant 0 : i32
      %dma_start3A_40 = arith.constant 0 : i32
      %dma_start3A_41 = tpu.memref_slice %arg3[%arg0, %arg1, %dma_start3A_39, %dma_start3A_40] : memref<2x16x80x128xi32, #tpu.memory_space<hbm>> -> memref<1x1x80x128xi32, #tpu.memory_space<hbm>>
      %dma_start3A_42 = tpu.memref_squeeze %dma_start3A_41 : memref<1x1x80x128xi32, #tpu.memory_space<hbm>> -> memref<80x128xi32, #tpu.memory_space<hbm>>
      %dma_start3A_43 = arith.constant 0 : i32
      %dma_start3A_44 = arith.constant 0 : i32
      %dma_start3A_45 = tpu.memref_slice %arg3[%arg0, %arg1, %dma_start3A_43, %dma_start3A_44] : memref<2x16x80x128xi32, #tpu.memory_space<hbm>> -> memref<1x1x80x128xi32, #tpu.memory_space<hbm>>
      %dma_start3A_46 = tpu.memref_squeeze %dma_start3A_45 : memref<1x1x80x128xi32, #tpu.memory_space<hbm>> -> memref<80x128xi32, #tpu.memory_space<hbm>>
      tpu.enqueue_dma source(%dma_start3A_46 : memref<80x128xi32, #tpu.memory_space<hbm>>) target(%arg7 : memref<80x128xi32, #tpu.memory_space<vmem>>) target_semaphore(%run_scoped3A : memref<!tpu.dma_semaphore, #tpu.memory_space<semaphore_mem>>)
      %dma_wait3A_47 = arith.constant 0 : i32
      %dma_wait3A_48 = arith.constant 0 : i32
      %dma_wait3A_49 = tpu.memref_slice %arg3[%arg0, %arg1, %dma_wait3A_47, %dma_wait3A_48] : memref<2x16x80x128xi32, #tpu.memory_space<hbm>> -> memref<1x1x80x128xi32, #tpu.memory_space<hbm>>
      %dma_wait3A_50 = tpu.memref_squeeze %dma_wait3A_49 : memref<1x1x80x128xi32, #tpu.memory_space<hbm>> -> memref<80x128xi32, #tpu.memory_space<hbm>>
      %dma_wait3A_51 = arith.constant 0 : i32
      %dma_wait3A_52 = arith.constant 0 : i32
      %dma_wait3A_53 = tpu.memref_slice %arg3[%arg0, %arg1, %dma_wait3A_51, %dma_wait3A_52] : memref<2x16x80x128xi32, #tpu.memory_space<hbm>> -> memref<1x1x80x128xi32, #tpu.memory_space<hbm>>
      %dma_wait3A_54 = tpu.memref_squeeze %dma_wait3A_53 : memref<1x1x80x128xi32, #tpu.memory_space<hbm>> -> memref<80x128xi32, #tpu.memory_space<hbm>>
      tpu.wait_dma2 semaphore(%run_scoped3A : memref<!tpu.dma_semaphore, #tpu.memory_space<semaphore_mem>>) src(%dma_wait3A_54 : memref<80x128xi32, #tpu.memory_space<hbm>>) dst(%arg7 : memref<80x128xi32, #tpu.memory_space<vmem>>)
      tpu.yield
    }) : () -> ()
    "tpu.region"() ({
      %run_scoped3A = tpu.sem_alloc : memref<!tpu.dma_semaphore, #tpu.memory_space<semaphore_mem>>
      %dma_start3A_39 = arith.constant 0 : i32
      %dma_start3A_40 = arith.constant 0 : i32
      %dma_start3A_41 = tpu.memref_slice %arg4[%arg0, %arg1, %dma_start3A_39, %dma_start3A_40] : memref<2x16x80x128xi32, #tpu.memory_space<hbm>> -> memref<1x1x80x128xi32, #tpu.memory_space<hbm>>
      %dma_start3A_42 = tpu.memref_squeeze %dma_start3A_41 : memref<1x1x80x128xi32, #tpu.memory_space<hbm>> -> memref<80x128xi32, #tpu.memory_space<hbm>>
      %dma_start3A_43 = arith.constant 0 : i32
      %dma_start3A_44 = arith.constant 0 : i32
      %dma_start3A_45 = tpu.memref_slice %arg4[%arg0, %arg1, %dma_start3A_43, %dma_start3A_44] : memref<2x16x80x128xi32, #tpu.memory_space<hbm>> -> memref<1x1x80x128xi32, #tpu.memory_space<hbm>>
      %dma_start3A_46 = tpu.memref_squeeze %dma_start3A_45 : memref<1x1x80x128xi32, #tpu.memory_space<hbm>> -> memref<80x128xi32, #tpu.memory_space<hbm>>
      tpu.enqueue_dma source(%dma_start3A_46 : memref<80x128xi32, #tpu.memory_space<hbm>>) target(%arg8 : memref<80x128xi32, #tpu.memory_space<vmem>>) target_semaphore(%run_scoped3A : memref<!tpu.dma_semaphore, #tpu.memory_space<semaphore_mem>>)
      %dma_wait3A_47 = arith.constant 0 : i32
      %dma_wait3A_48 = arith.constant 0 : i32
      %dma_wait3A_49 = tpu.memref_slice %arg4[%arg0, %arg1, %dma_wait3A_47, %dma_wait3A_48] : memref<2x16x80x128xi32, #tpu.memory_space<hbm>> -> memref<1x1x80x128xi32, #tpu.memory_space<hbm>>
      %dma_wait3A_50 = tpu.memref_squeeze %dma_wait3A_49 : memref<1x1x80x128xi32, #tpu.memory_space<hbm>> -> memref<80x128xi32, #tpu.memory_space<hbm>>
      %dma_wait3A_51 = arith.constant 0 : i32
      %dma_wait3A_52 = arith.constant 0 : i32
      %dma_wait3A_53 = tpu.memref_slice %arg4[%arg0, %arg1, %dma_wait3A_51, %dma_wait3A_52] : memref<2x16x80x128xi32, #tpu.memory_space<hbm>> -> memref<1x1x80x128xi32, #tpu.memory_space<hbm>>
      %dma_wait3A_54 = tpu.memref_squeeze %dma_wait3A_53 : memref<1x1x80x128xi32, #tpu.memory_space<hbm>> -> memref<80x128xi32, #tpu.memory_space<hbm>>
      tpu.wait_dma2 semaphore(%run_scoped3A : memref<!tpu.dma_semaphore, #tpu.memory_space<semaphore_mem>>) src(%dma_wait3A_54 : memref<80x128xi32, #tpu.memory_space<hbm>>) dst(%arg8 : memref<80x128xi32, #tpu.memory_space<vmem>>)
      tpu.yield
    }) : () -> ()
    %dma_start3A = arith.constant 0 : i32
    %dma_start3A_3 = arith.constant 0 : i32
    %dma_start3A_4 = tpu.memref_slice %arg7[%dma_start3A, %dma_start3A_3] : memref<80x128xi32, #tpu.memory_space<vmem>> -> memref<1x128xi32, #tpu.memory_space<vmem>>
    %dma_start3A_5 = tpu.memref_squeeze %dma_start3A_4 : memref<1x128xi32, #tpu.memory_space<vmem>> -> memref<128xi32, #tpu.memory_space<vmem>>
    %dma_start3A_6 = arith.constant 0 : i32
    %dma_start3A_7 = arith.constant 0 : i32
    %dma_start3A_8 = tpu.memref_slice %arg2[%dma_start3A_6, %dma_start3A_7] : memref<10000x128xf32, #tpu.memory_space<hbm>> -> memref<10000x128xf32, #tpu.memory_space<hbm>>
    tpu.enqueue_indirect_dma source(%dma_start3A_8 : memref<10000x128xf32, #tpu.memory_space<hbm>>) target(%arg9 : memref<128x128xf32, #tpu.memory_space<vmem>>) offsets(%dma_start3A_5 : memref<128xi32, #tpu.memory_space<vmem>>) semaphore(%arg11 : memref<!tpu.dma_semaphore, #tpu.memory_space<semaphore_mem>>)
    %dma_wait3A = arith.constant 0 : i32
    %dma_wait3A_9 = arith.constant 0 : i32
    %dma_wait3A_10 = tpu.memref_slice %arg7[%dma_wait3A, %dma_wait3A_9] : memref<80x128xi32, #tpu.memory_space<vmem>> -> memref<1x128xi32, #tpu.memory_space<vmem>>
    %dma_wait3A_11 = tpu.memref_squeeze %dma_wait3A_10 : memref<1x128xi32, #tpu.memory_space<vmem>> -> memref<128xi32, #tpu.memory_space<vmem>>
    %dma_wait3A_12 = arith.constant 0 : i32
    %dma_wait3A_13 = arith.constant 0 : i32
    %dma_wait3A_14 = tpu.memref_slice %arg2[%dma_wait3A_12, %dma_wait3A_13] : memref<10000x128xf32, #tpu.memory_space<hbm>> -> memref<10000x128xf32, #tpu.memory_space<hbm>>
    tpu.wait_indirect_dma semaphore(%arg11 : memref<!tpu.dma_semaphore, #tpu.memory_space<semaphore_mem>>) src(%dma_wait3A_14 : memref<10000x128xf32, #tpu.memory_space<hbm>>) dst(%arg9 : memref<128x128xf32, #tpu.memory_space<vmem>>)
    %dma_start3A_15 = arith.constant 0 : i32
    %dma_start3A_16 = arith.constant 0 : i32
    %dma_start3A_17 = tpu.memref_slice %arg8[%dma_start3A_15, %dma_start3A_16] : memref<80x128xi32, #tpu.memory_space<vmem>> -> memref<1x128xi32, #tpu.memory_space<vmem>>
    %dma_start3A_18 = tpu.memref_squeeze %dma_start3A_17 : memref<1x128xi32, #tpu.memory_space<vmem>> -> memref<128xi32, #tpu.memory_space<vmem>>
    %dma_start3A_19 = arith.constant 0 : i32
    %dma_start3A_20 = arith.constant 0 : i32
    %dma_start3A_21 = tpu.memref_slice %arg10[%dma_start3A_19, %dma_start3A_20] : memref<10240x128xf32, #tpu.memory_space<vmem_shared>> -> memref<10240x128xf32, #tpu.memory_space<vmem_shared>>
    tpu.enqueue_indirect_dma source(%arg9 : memref<128x128xf32, #tpu.memory_space<vmem>>) target(%dma_start3A_21 : memref<10240x128xf32, #tpu.memory_space<vmem_shared>>) offsets(%dma_start3A_18 : memref<128xi32, #tpu.memory_space<vmem>>) semaphore(%arg12 : memref<!tpu.dma_semaphore, #tpu.memory_space<semaphore_mem>>) {add = true}
    %scan3A = arith.constant 0 : i32
    %scan3A_22 = arith.constant 1 : i32
    %scan3A_23 = arith.constant 79 : i32
    %scan3A_24 = arith.addi %scan3A_22, %scan3A_23 : i32
    %scan3A_25 = arith.constant 1 : i32
    scf.for %scan3A_39 = %scan3A_22 to %scan3A_24 step %scan3A_25  : i32 {
      %dma_wait3A_40 = arith.constant 0 : i32
      %dma_wait3A_41 = tpu.memref_slice %arg8[%scan3A_39, %dma_wait3A_40] : memref<80x128xi32, #tpu.memory_space<vmem>> -> memref<1x128xi32, #tpu.memory_space<vmem>>
      %dma_wait3A_42 = tpu.memref_squeeze %dma_wait3A_41 : memref<1x128xi32, #tpu.memory_space<vmem>> -> memref<128xi32, #tpu.memory_space<vmem>>
      %dma_wait3A_43 = arith.constant 0 : i32
      %dma_wait3A_44 = arith.constant 0 : i32
      %dma_wait3A_45 = tpu.memref_slice %arg10[%dma_wait3A_43, %dma_wait3A_44] : memref<10240x128xf32, #tpu.memory_space<vmem_shared>> -> memref<10240x128xf32, #tpu.memory_space<vmem_shared>>
      tpu.wait_indirect_dma semaphore(%arg12 : memref<!tpu.dma_semaphore, #tpu.memory_space<semaphore_mem>>) src(%arg9 : memref<128x128xf32, #tpu.memory_space<vmem>>) dst(%dma_wait3A_45 : memref<10240x128xf32, #tpu.memory_space<vmem_shared>>)
      %dma_start3A_46 = arith.constant 0 : i32
      %dma_start3A_47 = tpu.memref_slice %arg7[%scan3A_39, %dma_start3A_46] : memref<80x128xi32, #tpu.memory_space<vmem>> -> memref<1x128xi32, #tpu.memory_space<vmem>>
      %dma_start3A_48 = tpu.memref_squeeze %dma_start3A_47 : memref<1x128xi32, #tpu.memory_space<vmem>> -> memref<128xi32, #tpu.memory_space<vmem>>
      %dma_start3A_49 = arith.constant 0 : i32
      %dma_start3A_50 = arith.constant 0 : i32
      %dma_start3A_51 = tpu.memref_slice %arg2[%dma_start3A_49, %dma_start3A_50] : memref<10000x128xf32, #tpu.memory_space<hbm>> -> memref<10000x128xf32, #tpu.memory_space<hbm>>
      tpu.enqueue_indirect_dma source(%dma_start3A_51 : memref<10000x128xf32, #tpu.memory_space<hbm>>) target(%arg9 : memref<128x128xf32, #tpu.memory_space<vmem>>) offsets(%dma_start3A_48 : memref<128xi32, #tpu.memory_space<vmem>>) semaphore(%arg11 : memref<!tpu.dma_semaphore, #tpu.memory_space<semaphore_mem>>)
      %dma_wait3A_52 = arith.constant 0 : i32
      %dma_wait3A_53 = tpu.memref_slice %arg7[%scan3A_39, %dma_wait3A_52] : memref<80x128xi32, #tpu.memory_space<vmem>> -> memref<1x128xi32, #tpu.memory_space<vmem>>
      %dma_wait3A_54 = tpu.memref_squeeze %dma_wait3A_53 : memref<1x128xi32, #tpu.memory_space<vmem>> -> memref<128xi32, #tpu.memory_space<vmem>>
      %dma_wait3A_55 = arith.constant 0 : i32
      %dma_wait3A_56 = arith.constant 0 : i32
      %dma_wait3A_57 = tpu.memref_slice %arg2[%dma_wait3A_55, %dma_wait3A_56] : memref<10000x128xf32, #tpu.memory_space<hbm>> -> memref<10000x128xf32, #tpu.memory_space<hbm>>
      tpu.wait_indirect_dma semaphore(%arg11 : memref<!tpu.dma_semaphore, #tpu.memory_space<semaphore_mem>>) src(%dma_wait3A_57 : memref<10000x128xf32, #tpu.memory_space<hbm>>) dst(%arg9 : memref<128x128xf32, #tpu.memory_space<vmem>>)
      %dma_start3A_58 = arith.constant 0 : i32
      %dma_start3A_59 = tpu.memref_slice %arg8[%scan3A_39, %dma_start3A_58] : memref<80x128xi32, #tpu.memory_space<vmem>> -> memref<1x128xi32, #tpu.memory_space<vmem>>
      %dma_start3A_60 = tpu.memref_squeeze %dma_start3A_59 : memref<1x128xi32, #tpu.memory_space<vmem>> -> memref<128xi32, #tpu.memory_space<vmem>>
      %dma_start3A_61 = arith.constant 0 : i32
      %dma_start3A_62 = arith.constant 0 : i32
      %dma_start3A_63 = tpu.memref_slice %arg10[%dma_start3A_61, %dma_start3A_62] : memref<10240x128xf32, #tpu.memory_space<vmem_shared>> -> memref<10240x128xf32, #tpu.memory_space<vmem_shared>>
      tpu.enqueue_indirect_dma source(%arg9 : memref<128x128xf32, #tpu.memory_space<vmem>>) target(%dma_start3A_63 : memref<10240x128xf32, #tpu.memory_space<vmem_shared>>) offsets(%dma_start3A_60 : memref<128xi32, #tpu.memory_space<vmem>>) semaphore(%arg12 : memref<!tpu.dma_semaphore, #tpu.memory_space<semaphore_mem>>) {add = true}
    }
    %scan3A_26 = arith.constant 79 : i32
    %dma_wait3A_27 = arith.constant 0 : i32
    %dma_wait3A_28 = arith.constant 0 : i32
    %dma_wait3A_29 = tpu.memref_slice %arg8[%dma_wait3A_27, %dma_wait3A_28] : memref<80x128xi32, #tpu.memory_space<vmem>> -> memref<1x128xi32, #tpu.memory_space<vmem>>
    %dma_wait3A_30 = tpu.memref_squeeze %dma_wait3A_29 : memref<1x128xi32, #tpu.memory_space<vmem>> -> memref<128xi32, #tpu.memory_space<vmem>>
    %dma_wait3A_31 = arith.constant 0 : i32
    %dma_wait3A_32 = arith.constant 0 : i32
    %dma_wait3A_33 = tpu.memref_slice %arg10[%dma_wait3A_31, %dma_wait3A_32] : memref<10240x128xf32, #tpu.memory_space<vmem_shared>> -> memref<10240x128xf32, #tpu.memory_space<vmem_shared>>
    tpu.wait_indirect_dma semaphore(%arg12 : memref<!tpu.dma_semaphore, #tpu.memory_space<semaphore_mem>>) src(%arg9 : memref<128x128xf32, #tpu.memory_space<vmem>>) dst(%dma_wait3A_33 : memref<10240x128xf32, #tpu.memory_space<vmem_shared>>)
    %barrier3A_34 = arith.constant 0 : index
    tpu.barrier barrier_id(%barrier3A_34)
    %mul3A_35 = arith.constant 640 : i32
    %mul3A_36 = arith.muli %arg1, %mul3A_35 : i32
    %mul3A_37 = arith.constant 640 : i32
    %mul3A_38 = arith.muli %arg1, %mul3A_37 : i32
    "tpu.region"() ({
      %run_scoped3A = tpu.sem_alloc : memref<!tpu.dma_semaphore, #tpu.memory_space<semaphore_mem>>
      %dma_start3A_39 = arith.constant 0 : i32
      %dma_start3A_40 = tpu.memref_slice %arg6[%arg0, %mul3A_38, %dma_start3A_39] : memref<2x10240x128xf32, #tpu.memory_space<hbm>> -> memref<1x640x128xf32, #tpu.memory_space<hbm>>
      %dma_start3A_41 = tpu.memref_squeeze %dma_start3A_40 : memref<1x640x128xf32, #tpu.memory_space<hbm>> -> memref<640x128xf32, #tpu.memory_space<hbm>>
      %dma_start3A_42 = arith.constant 0 : i32
      %dma_start3A_43 = tpu.memref_slice %arg10[%mul3A_36, %dma_start3A_42] : memref<10240x128xf32, #tpu.memory_space<vmem_shared>> -> memref<640x128xf32, #tpu.memory_space<vmem_shared>>
      tpu.enqueue_dma source(%dma_start3A_43 : memref<640x128xf32, #tpu.memory_space<vmem_shared>>) target(%dma_start3A_41 : memref<640x128xf32, #tpu.memory_space<hbm>>) target_semaphore(%run_scoped3A : memref<!tpu.dma_semaphore, #tpu.memory_space<semaphore_mem>>)
      %dma_wait3A_44 = arith.constant 0 : i32
      %dma_wait3A_45 = tpu.memref_slice %arg6[%arg0, %mul3A_38, %dma_wait3A_44] : memref<2x10240x128xf32, #tpu.memory_space<hbm>> -> memref<1x640x128xf32, #tpu.memory_space<hbm>>
      %dma_wait3A_46 = tpu.memref_squeeze %dma_wait3A_45 : memref<1x640x128xf32, #tpu.memory_space<hbm>> -> memref<640x128xf32, #tpu.memory_space<hbm>>
      %dma_wait3A_47 = arith.constant 0 : i32
      %dma_wait3A_48 = tpu.memref_slice %arg10[%mul3A_36, %dma_wait3A_47] : memref<10240x128xf32, #tpu.memory_space<vmem_shared>> -> memref<640x128xf32, #tpu.memory_space<vmem_shared>>
      tpu.wait_dma2 semaphore(%run_scoped3A : memref<!tpu.dma_semaphore, #tpu.memory_space<semaphore_mem>>) src(%dma_wait3A_48 : memref<640x128xf32, #tpu.memory_space<vmem_shared>>) dst(%dma_wait3A_46 : memref<640x128xf32, #tpu.memory_space<hbm>>)
      tpu.yield
    }) : () -> ()
    return
  }
}

#map = affine_map<(d0, d1) -> (0, 0)>
#map1 = affine_map<(d0, d1) -> (0, 0, 0, 0)>
#map2 = affine_map<(d0, d1) -> (0, 0, 0)>
module attributes {stable_mosaic.version = 14 : i64} {
  func.func @_sc_agg_kernel(%arg0: i32, %arg1: i32, %arg2: memref<10000x128xf32, #tpu.memory_space<hbm>>, %arg3: memref<2x16x80x128xi32, #tpu.memory_space<hbm>>, %arg4: memref<2x16x80x128xi32, #tpu.memory_space<hbm>>, %arg5: memref<10240x128xf32, #tpu.memory_space<hbm>>, %arg6: memref<2x10240x128xf32, #tpu.memory_space<hbm>>, %arg7: memref<80x128xi32, #tpu.memory_space<vmem>>, %arg8: memref<80x128xi32, #tpu.memory_space<vmem>>, %arg9: memref<128x128xf32, #tpu.memory_space<vmem>>, %arg10: memref<10240x128xf32, #tpu.memory_space<vmem_shared>>, %arg11: memref<!tpu.dma_semaphore, #tpu.memory_space<semaphore_mem>>, %arg12: memref<!tpu.dma_semaphore, #tpu.memory_space<semaphore_mem>>) attributes {dimension_semantics = [#tpu.dimension_semantics<core_parallel>, #tpu.dimension_semantics<subcore_parallel>], iteration_bounds = array<i64: 2, 16>, scalar_prefetch = 0 : i64, scratch_operands = 6 : i64, tpu.core_type = #tpu.core_type<sc_vector_subcore>, window_params = [{transform_indices = #map}, {transform_indices = #map1}, {transform_indices = #map1}, {transform_indices = #map}, {transform_indices = #map2}]} {
    %mul3A = arith.constant 640 : i32
    %mul3A_0 = arith.muli %arg1, %mul3A : i32
    %mul3A_1 = arith.constant 640 : i32
    %mul3A_2 = arith.muli %arg1, %mul3A_1 : i32
    "tpu.region"() ({
      %run_scoped3A = tpu.sem_alloc : memref<!tpu.dma_semaphore, #tpu.memory_space<semaphore_mem>>
      %dma_start3A_39 = arith.constant 0 : i32
      %dma_start3A_40 = tpu.memref_slice %arg10[%mul3A_2, %dma_start3A_39] : memref<10240x128xf32, #tpu.memory_space<vmem_shared>> -> memref<640x128xf32, #tpu.memory_space<vmem_shared>>
      %dma_start3A_41 = arith.constant 0 : i32
      %dma_start3A_42 = tpu.memref_slice %arg5[%mul3A_0, %dma_start3A_41] : memref<10240x128xf32, #tpu.memory_space<hbm>> -> memref<640x128xf32, #tpu.memory_space<hbm>>
      tpu.enqueue_dma source(%dma_start3A_42 : memref<640x128xf32, #tpu.memory_space<hbm>>) target(%dma_start3A_40 : memref<640x128xf32, #tpu.memory_space<vmem_shared>>) target_semaphore(%run_scoped3A : memref<!tpu.dma_semaphore, #tpu.memory_space<semaphore_mem>>)
      %dma_wait3A_43 = arith.constant 0 : i32
      %dma_wait3A_44 = tpu.memref_slice %arg10[%mul3A_2, %dma_wait3A_43] : memref<10240x128xf32, #tpu.memory_space<vmem_shared>> -> memref<640x128xf32, #tpu.memory_space<vmem_shared>>
      %dma_wait3A_45 = arith.constant 0 : i32
      %dma_wait3A_46 = tpu.memref_slice %arg5[%mul3A_0, %dma_wait3A_45] : memref<10240x128xf32, #tpu.memory_space<hbm>> -> memref<640x128xf32, #tpu.memory_space<hbm>>
      tpu.wait_dma2 semaphore(%run_scoped3A : memref<!tpu.dma_semaphore, #tpu.memory_space<semaphore_mem>>) src(%dma_wait3A_46 : memref<640x128xf32, #tpu.memory_space<hbm>>) dst(%dma_wait3A_44 : memref<640x128xf32, #tpu.memory_space<vmem_shared>>)
      tpu.yield
    }) : () -> ()
    %barrier3A = arith.constant 0 : index
    tpu.barrier barrier_id(%barrier3A)
    "tpu.region"() ({
      %run_scoped3A = tpu.sem_alloc : memref<!tpu.dma_semaphore, #tpu.memory_space<semaphore_mem>>
      %dma_start3A_39 = arith.constant 0 : i32
      %dma_start3A_40 = arith.constant 0 : i32
      %dma_start3A_41 = tpu.memref_slice %arg3[%arg0, %arg1, %dma_start3A_39, %dma_start3A_40] : memref<2x16x80x128xi32, #tpu.memory_space<hbm>> -> memref<1x1x80x128xi32, #tpu.memory_space<hbm>>
      %dma_start3A_42 = tpu.memref_squeeze %dma_start3A_41 : memref<1x1x80x128xi32, #tpu.memory_space<hbm>> -> memref<80x128xi32, #tpu.memory_space<hbm>>
      %dma_start3A_43 = arith.constant 0 : i32
      %dma_start3A_44 = arith.constant 0 : i32
      %dma_start3A_45 = tpu.memref_slice %arg3[%arg0, %arg1, %dma_start3A_43, %dma_start3A_44] : memref<2x16x80x128xi32, #tpu.memory_space<hbm>> -> memref<1x1x80x128xi32, #tpu.memory_space<hbm>>
      %dma_start3A_46 = tpu.memref_squeeze %dma_start3A_45 : memref<1x1x80x128xi32, #tpu.memory_space<hbm>> -> memref<80x128xi32, #tpu.memory_space<hbm>>
      tpu.enqueue_dma source(%dma_start3A_46 : memref<80x128xi32, #tpu.memory_space<hbm>>) target(%arg7 : memref<80x128xi32, #tpu.memory_space<vmem>>) target_semaphore(%run_scoped3A : memref<!tpu.dma_semaphore, #tpu.memory_space<semaphore_mem>>)
      %dma_wait3A_47 = arith.constant 0 : i32
      %dma_wait3A_48 = arith.constant 0 : i32
      %dma_wait3A_49 = tpu.memref_slice %arg3[%arg0, %arg1, %dma_wait3A_47, %dma_wait3A_48] : memref<2x16x80x128xi32, #tpu.memory_space<hbm>> -> memref<1x1x80x128xi32, #tpu.memory_space<hbm>>
      %dma_wait3A_50 = tpu.memref_squeeze %dma_wait3A_49 : memref<1x1x80x128xi32, #tpu.memory_space<hbm>> -> memref<80x128xi32, #tpu.memory_space<hbm>>
      %dma_wait3A_51 = arith.constant 0 : i32
      %dma_wait3A_52 = arith.constant 0 : i32
      %dma_wait3A_53 = tpu.memref_slice %arg3[%arg0, %arg1, %dma_wait3A_51, %dma_wait3A_52] : memref<2x16x80x128xi32, #tpu.memory_space<hbm>> -> memref<1x1x80x128xi32, #tpu.memory_space<hbm>>
      %dma_wait3A_54 = tpu.memref_squeeze %dma_wait3A_53 : memref<1x1x80x128xi32, #tpu.memory_space<hbm>> -> memref<80x128xi32, #tpu.memory_space<hbm>>
      tpu.wait_dma2 semaphore(%run_scoped3A : memref<!tpu.dma_semaphore, #tpu.memory_space<semaphore_mem>>) src(%dma_wait3A_54 : memref<80x128xi32, #tpu.memory_space<hbm>>) dst(%arg7 : memref<80x128xi32, #tpu.memory_space<vmem>>)
      tpu.yield
    }) : () -> ()
    "tpu.region"() ({
      %run_scoped3A = tpu.sem_alloc : memref<!tpu.dma_semaphore, #tpu.memory_space<semaphore_mem>>
      %dma_start3A_39 = arith.constant 0 : i32
      %dma_start3A_40 = arith.constant 0 : i32
      %dma_start3A_41 = tpu.memref_slice %arg4[%arg0, %arg1, %dma_start3A_39, %dma_start3A_40] : memref<2x16x80x128xi32, #tpu.memory_space<hbm>> -> memref<1x1x80x128xi32, #tpu.memory_space<hbm>>
      %dma_start3A_42 = tpu.memref_squeeze %dma_start3A_41 : memref<1x1x80x128xi32, #tpu.memory_space<hbm>> -> memref<80x128xi32, #tpu.memory_space<hbm>>
      %dma_start3A_43 = arith.constant 0 : i32
      %dma_start3A_44 = arith.constant 0 : i32
      %dma_start3A_45 = tpu.memref_slice %arg4[%arg0, %arg1, %dma_start3A_43, %dma_start3A_44] : memref<2x16x80x128xi32, #tpu.memory_space<hbm>> -> memref<1x1x80x128xi32, #tpu.memory_space<hbm>>
      %dma_start3A_46 = tpu.memref_squeeze %dma_start3A_45 : memref<1x1x80x128xi32, #tpu.memory_space<hbm>> -> memref<80x128xi32, #tpu.memory_space<hbm>>
      tpu.enqueue_dma source(%dma_start3A_46 : memref<80x128xi32, #tpu.memory_space<hbm>>) target(%arg8 : memref<80x128xi32, #tpu.memory_space<vmem>>) target_semaphore(%run_scoped3A : memref<!tpu.dma_semaphore, #tpu.memory_space<semaphore_mem>>)
      %dma_wait3A_47 = arith.constant 0 : i32
      %dma_wait3A_48 = arith.constant 0 : i32
      %dma_wait3A_49 = tpu.memref_slice %arg4[%arg0, %arg1, %dma_wait3A_47, %dma_wait3A_48] : memref<2x16x80x128xi32, #tpu.memory_space<hbm>> -> memref<1x1x80x128xi32, #tpu.memory_space<hbm>>
      %dma_wait3A_50 = tpu.memref_squeeze %dma_wait3A_49 : memref<1x1x80x128xi32, #tpu.memory_space<hbm>> -> memref<80x128xi32, #tpu.memory_space<hbm>>
      %dma_wait3A_51 = arith.constant 0 : i32
      %dma_wait3A_52 = arith.constant 0 : i32
      %dma_wait3A_53 = tpu.memref_slice %arg4[%arg0, %arg1, %dma_wait3A_51, %dma_wait3A_52] : memref<2x16x80x128xi32, #tpu.memory_space<hbm>> -> memref<1x1x80x128xi32, #tpu.memory_space<hbm>>
      %dma_wait3A_54 = tpu.memref_squeeze %dma_wait3A_53 : memref<1x1x80x128xi32, #tpu.memory_space<hbm>> -> memref<80x128xi32, #tpu.memory_space<hbm>>
      tpu.wait_dma2 semaphore(%run_scoped3A : memref<!tpu.dma_semaphore, #tpu.memory_space<semaphore_mem>>) src(%dma_wait3A_54 : memref<80x128xi32, #tpu.memory_space<hbm>>) dst(%arg8 : memref<80x128xi32, #tpu.memory_space<vmem>>)
      tpu.yield
    }) : () -> ()
    %dma_start3A = arith.constant 0 : i32
    %dma_start3A_3 = arith.constant 0 : i32
    %dma_start3A_4 = tpu.memref_slice %arg7[%dma_start3A, %dma_start3A_3] : memref<80x128xi32, #tpu.memory_space<vmem>> -> memref<1x128xi32, #tpu.memory_space<vmem>>
    %dma_start3A_5 = tpu.memref_squeeze %dma_start3A_4 : memref<1x128xi32, #tpu.memory_space<vmem>> -> memref<128xi32, #tpu.memory_space<vmem>>
    %dma_start3A_6 = arith.constant 0 : i32
    %dma_start3A_7 = arith.constant 0 : i32
    %dma_start3A_8 = tpu.memref_slice %arg2[%dma_start3A_6, %dma_start3A_7] : memref<10000x128xf32, #tpu.memory_space<hbm>> -> memref<10000x128xf32, #tpu.memory_space<hbm>>
    tpu.enqueue_indirect_dma source(%dma_start3A_8 : memref<10000x128xf32, #tpu.memory_space<hbm>>) target(%arg9 : memref<128x128xf32, #tpu.memory_space<vmem>>) offsets(%dma_start3A_5 : memref<128xi32, #tpu.memory_space<vmem>>) semaphore(%arg11 : memref<!tpu.dma_semaphore, #tpu.memory_space<semaphore_mem>>)
    %dma_wait3A = arith.constant 0 : i32
    %dma_wait3A_9 = arith.constant 0 : i32
    %dma_wait3A_10 = tpu.memref_slice %arg7[%dma_wait3A, %dma_wait3A_9] : memref<80x128xi32, #tpu.memory_space<vmem>> -> memref<1x128xi32, #tpu.memory_space<vmem>>
    %dma_wait3A_11 = tpu.memref_squeeze %dma_wait3A_10 : memref<1x128xi32, #tpu.memory_space<vmem>> -> memref<128xi32, #tpu.memory_space<vmem>>
    %dma_wait3A_12 = arith.constant 0 : i32
    %dma_wait3A_13 = arith.constant 0 : i32
    %dma_wait3A_14 = tpu.memref_slice %arg2[%dma_wait3A_12, %dma_wait3A_13] : memref<10000x128xf32, #tpu.memory_space<hbm>> -> memref<10000x128xf32, #tpu.memory_space<hbm>>
    tpu.wait_indirect_dma semaphore(%arg11 : memref<!tpu.dma_semaphore, #tpu.memory_space<semaphore_mem>>) src(%dma_wait3A_14 : memref<10000x128xf32, #tpu.memory_space<hbm>>) dst(%arg9 : memref<128x128xf32, #tpu.memory_space<vmem>>)
    %dma_start3A_15 = arith.constant 0 : i32
    %dma_start3A_16 = arith.constant 0 : i32
    %dma_start3A_17 = tpu.memref_slice %arg8[%dma_start3A_15, %dma_start3A_16] : memref<80x128xi32, #tpu.memory_space<vmem>> -> memref<1x128xi32, #tpu.memory_space<vmem>>
    %dma_start3A_18 = tpu.memref_squeeze %dma_start3A_17 : memref<1x128xi32, #tpu.memory_space<vmem>> -> memref<128xi32, #tpu.memory_space<vmem>>
    %dma_start3A_19 = arith.constant 0 : i32
    %dma_start3A_20 = arith.constant 0 : i32
    %dma_start3A_21 = tpu.memref_slice %arg10[%dma_start3A_19, %dma_start3A_20] : memref<10240x128xf32, #tpu.memory_space<vmem_shared>> -> memref<10240x128xf32, #tpu.memory_space<vmem_shared>>
    tpu.enqueue_indirect_dma source(%arg9 : memref<128x128xf32, #tpu.memory_space<vmem>>) target(%dma_start3A_21 : memref<10240x128xf32, #tpu.memory_space<vmem_shared>>) offsets(%dma_start3A_18 : memref<128xi32, #tpu.memory_space<vmem>>) semaphore(%arg12 : memref<!tpu.dma_semaphore, #tpu.memory_space<semaphore_mem>>) {add = true}
    %scan3A = arith.constant 0 : i32
    %scan3A_22 = arith.constant 1 : i32
    %scan3A_23 = arith.constant 79 : i32
    %scan3A_24 = arith.addi %scan3A_22, %scan3A_23 : i32
    %scan3A_25 = arith.constant 1 : i32
    scf.for %scan3A_39 = %scan3A_22 to %scan3A_24 step %scan3A_25  : i32 {
      %dma_wait3A_40 = arith.constant 0 : i32
      %dma_wait3A_41 = tpu.memref_slice %arg8[%scan3A_39, %dma_wait3A_40] : memref<80x128xi32, #tpu.memory_space<vmem>> -> memref<1x128xi32, #tpu.memory_space<vmem>>
      %dma_wait3A_42 = tpu.memref_squeeze %dma_wait3A_41 : memref<1x128xi32, #tpu.memory_space<vmem>> -> memref<128xi32, #tpu.memory_space<vmem>>
      %dma_wait3A_43 = arith.constant 0 : i32
      %dma_wait3A_44 = arith.constant 0 : i32
      %dma_wait3A_45 = tpu.memref_slice %arg10[%dma_wait3A_43, %dma_wait3A_44] : memref<10240x128xf32, #tpu.memory_space<vmem_shared>> -> memref<10240x128xf32, #tpu.memory_space<vmem_shared>>
      tpu.wait_indirect_dma semaphore(%arg12 : memref<!tpu.dma_semaphore, #tpu.memory_space<semaphore_mem>>) src(%arg9 : memref<128x128xf32, #tpu.memory_space<vmem>>) dst(%dma_wait3A_45 : memref<10240x128xf32, #tpu.memory_space<vmem_shared>>)
      %dma_start3A_46 = arith.constant 0 : i32
      %dma_start3A_47 = tpu.memref_slice %arg7[%scan3A_39, %dma_start3A_46] : memref<80x128xi32, #tpu.memory_space<vmem>> -> memref<1x128xi32, #tpu.memory_space<vmem>>
      %dma_start3A_48 = tpu.memref_squeeze %dma_start3A_47 : memref<1x128xi32, #tpu.memory_space<vmem>> -> memref<128xi32, #tpu.memory_space<vmem>>
      %dma_start3A_49 = arith.constant 0 : i32
      %dma_start3A_50 = arith.constant 0 : i32
      %dma_start3A_51 = tpu.memref_slice %arg2[%dma_start3A_49, %dma_start3A_50] : memref<10000x128xf32, #tpu.memory_space<hbm>> -> memref<10000x128xf32, #tpu.memory_space<hbm>>
      tpu.enqueue_indirect_dma source(%dma_start3A_51 : memref<10000x128xf32, #tpu.memory_space<hbm>>) target(%arg9 : memref<128x128xf32, #tpu.memory_space<vmem>>) offsets(%dma_start3A_48 : memref<128xi32, #tpu.memory_space<vmem>>) semaphore(%arg11 : memref<!tpu.dma_semaphore, #tpu.memory_space<semaphore_mem>>)
      %dma_wait3A_52 = arith.constant 0 : i32
      %dma_wait3A_53 = tpu.memref_slice %arg7[%scan3A_39, %dma_wait3A_52] : memref<80x128xi32, #tpu.memory_space<vmem>> -> memref<1x128xi32, #tpu.memory_space<vmem>>
      %dma_wait3A_54 = tpu.memref_squeeze %dma_wait3A_53 : memref<1x128xi32, #tpu.memory_space<vmem>> -> memref<128xi32, #tpu.memory_space<vmem>>
      %dma_wait3A_55 = arith.constant 0 : i32
      %dma_wait3A_56 = arith.constant 0 : i32
      %dma_wait3A_57 = tpu.memref_slice %arg2[%dma_wait3A_55, %dma_wait3A_56] : memref<10000x128xf32, #tpu.memory_space<hbm>> -> memref<10000x128xf32, #tpu.memory_space<hbm>>
      tpu.wait_indirect_dma semaphore(%arg11 : memref<!tpu.dma_semaphore, #tpu.memory_space<semaphore_mem>>) src(%dma_wait3A_57 : memref<10000x128xf32, #tpu.memory_space<hbm>>) dst(%arg9 : memref<128x128xf32, #tpu.memory_space<vmem>>)
      %dma_start3A_58 = arith.constant 0 : i32
      %dma_start3A_59 = tpu.memref_slice %arg8[%scan3A_39, %dma_start3A_58] : memref<80x128xi32, #tpu.memory_space<vmem>> -> memref<1x128xi32, #tpu.memory_space<vmem>>
      %dma_start3A_60 = tpu.memref_squeeze %dma_start3A_59 : memref<1x128xi32, #tpu.memory_space<vmem>> -> memref<128xi32, #tpu.memory_space<vmem>>
      %dma_start3A_61 = arith.constant 0 : i32
      %dma_start3A_62 = arith.constant 0 : i32
      %dma_start3A_63 = tpu.memref_slice %arg10[%dma_start3A_61, %dma_start3A_62] : memref<10240x128xf32, #tpu.memory_space<vmem_shared>> -> memref<10240x128xf32, #tpu.memory_space<vmem_shared>>
      tpu.enqueue_indirect_dma source(%arg9 : memref<128x128xf32, #tpu.memory_space<vmem>>) target(%dma_start3A_63 : memref<10240x128xf32, #tpu.memory_space<vmem_shared>>) offsets(%dma_start3A_60 : memref<128xi32, #tpu.memory_space<vmem>>) semaphore(%arg12 : memref<!tpu.dma_semaphore, #tpu.memory_space<semaphore_mem>>) {add = true}
    }
    %scan3A_26 = arith.constant 79 : i32
    %dma_wait3A_27 = arith.constant 0 : i32
    %dma_wait3A_28 = arith.constant 0 : i32
    %dma_wait3A_29 = tpu.memref_slice %arg8[%dma_wait3A_27, %dma_wait3A_28] : memref<80x128xi32, #tpu.memory_space<vmem>> -> memref<1x128xi32, #tpu.memory_space<vmem>>
    %dma_wait3A_30 = tpu.memref_squeeze %dma_wait3A_29 : memref<1x128xi32, #tpu.memory_space<vmem>> -> memref<128xi32, #tpu.memory_space<vmem>>
    %dma_wait3A_31 = arith.constant 0 : i32
    %dma_wait3A_32 = arith.constant 0 : i32
    %dma_wait3A_33 = tpu.memref_slice %arg10[%dma_wait3A_31, %dma_wait3A_32] : memref<10240x128xf32, #tpu.memory_space<vmem_shared>> -> memref<10240x128xf32, #tpu.memory_space<vmem_shared>>
    tpu.wait_indirect_dma semaphore(%arg12 : memref<!tpu.dma_semaphore, #tpu.memory_space<semaphore_mem>>) src(%arg9 : memref<128x128xf32, #tpu.memory_space<vmem>>) dst(%dma_wait3A_33 : memref<10240x128xf32, #tpu.memory_space<vmem_shared>>)
    %barrier3A_34 = arith.constant 0 : index
    tpu.barrier barrier_id(%barrier3A_34)
    %mul3A_35 = arith.constant 640 : i32
    %mul3A_36 = arith.muli %arg1, %mul3A_35 : i32
    %mul3A_37 = arith.constant 640 : i32
    %mul3A_38 = arith.muli %arg1, %mul3A_37 : i32
    "tpu.region"() ({
      %run_scoped3A = tpu.sem_alloc : memref<!tpu.dma_semaphore, #tpu.memory_space<semaphore_mem>>
      %dma_start3A_39 = arith.constant 0 : i32
      %dma_start3A_40 = tpu.memref_slice %arg6[%arg0, %mul3A_38, %dma_start3A_39] : memref<2x10240x128xf32, #tpu.memory_space<hbm>> -> memref<1x640x128xf32, #tpu.memory_space<hbm>>
      %dma_start3A_41 = tpu.memref_squeeze %dma_start3A_40 : memref<1x640x128xf32, #tpu.memory_space<hbm>> -> memref<640x128xf32, #tpu.memory_space<hbm>>
      %dma_start3A_42 = arith.constant 0 : i32
      %dma_start3A_43 = tpu.memref_slice %arg10[%mul3A_36, %dma_start3A_42] : memref<10240x128xf32, #tpu.memory_space<vmem_shared>> -> memref<640x128xf32, #tpu.memory_space<vmem_shared>>
      tpu.enqueue_dma source(%dma_start3A_43 : memref<640x128xf32, #tpu.memory_space<vmem_shared>>) target(%dma_start3A_41 : memref<640x128xf32, #tpu.memory_space<hbm>>) target_semaphore(%run_scoped3A : memref<!tpu.dma_semaphore, #tpu.memory_space<semaphore_mem>>)
      %dma_wait3A_44 = arith.constant 0 : i32
      %dma_wait3A_45 = tpu.memref_slice %arg6[%arg0, %mul3A_38, %dma_wait3A_44] : memref<2x10240x128xf32, #tpu.memory_space<hbm>> -> memref<1x640x128xf32, #tpu.memory_space<hbm>>
      %dma_wait3A_46 = tpu.memref_squeeze %dma_wait3A_45 : memref<1x640x128xf32, #tpu.memory_space<hbm>> -> memref<640x128xf32, #tpu.memory_space<hbm>>
      %dma_wait3A_47 = arith.constant 0 : i32
      %dma_wait3A_48 = tpu.memref_slice %arg10[%mul3A_36, %dma_wait3A_47] : memref<10240x128xf32, #tpu.memory_space<vmem_shared>> -> memref<640x128xf32, #tpu.memory_space<vmem_shared>>
      tpu.wait_dma2 semaphore(%run_scoped3A : memref<!tpu.dma_semaphore, #tpu.memory_space<semaphore_mem>>) src(%dma_wait3A_48 : memref<640x128xf32, #tpu.memory_space<vmem_shared>>) dst(%dma_wait3A_46 : memref<640x128xf32, #tpu.memory_space<hbm>>)
      tpu.yield
    }) : () -> ()
    return
  }
}

#map = affine_map<(d0, d1) -> (0, 0)>
#map1 = affine_map<(d0, d1) -> (0, 0, 0, 0)>
#map2 = affine_map<(d0, d1) -> (0, 0, 0)>
module attributes {stable_mosaic.version = 14 : i64} {
  func.func @_sc_agg_kernel(%arg0: i32, %arg1: i32, %arg2: memref<10000x128xf32, #tpu.memory_space<hbm>>, %arg3: memref<2x16x80x128xi32, #tpu.memory_space<hbm>>, %arg4: memref<2x16x80x128xi32, #tpu.memory_space<hbm>>, %arg5: memref<10240x128xf32, #tpu.memory_space<hbm>>, %arg6: memref<2x10240x128xf32, #tpu.memory_space<hbm>>, %arg7: memref<80x128xi32, #tpu.memory_space<vmem>>, %arg8: memref<80x128xi32, #tpu.memory_space<vmem>>, %arg9: memref<128x128xf32, #tpu.memory_space<vmem>>, %arg10: memref<10240x128xf32, #tpu.memory_space<vmem_shared>>, %arg11: memref<!tpu.dma_semaphore, #tpu.memory_space<semaphore_mem>>, %arg12: memref<!tpu.dma_semaphore, #tpu.memory_space<semaphore_mem>>) attributes {dimension_semantics = [#tpu.dimension_semantics<core_parallel>, #tpu.dimension_semantics<subcore_parallel>], iteration_bounds = array<i64: 2, 16>, scalar_prefetch = 0 : i64, scratch_operands = 6 : i64, tpu.core_type = #tpu.core_type<sc_vector_subcore>, window_params = [{transform_indices = #map}, {transform_indices = #map1}, {transform_indices = #map1}, {transform_indices = #map}, {transform_indices = #map2}]} {
    %mul3A = arith.constant 640 : i32
    %mul3A_0 = arith.muli %arg1, %mul3A : i32
    %mul3A_1 = arith.constant 640 : i32
    %mul3A_2 = arith.muli %arg1, %mul3A_1 : i32
    "tpu.region"() ({
      %run_scoped3A = tpu.sem_alloc : memref<!tpu.dma_semaphore, #tpu.memory_space<semaphore_mem>>
      %dma_start3A_39 = arith.constant 0 : i32
      %dma_start3A_40 = tpu.memref_slice %arg10[%mul3A_2, %dma_start3A_39] : memref<10240x128xf32, #tpu.memory_space<vmem_shared>> -> memref<640x128xf32, #tpu.memory_space<vmem_shared>>
      %dma_start3A_41 = arith.constant 0 : i32
      %dma_start3A_42 = tpu.memref_slice %arg5[%mul3A_0, %dma_start3A_41] : memref<10240x128xf32, #tpu.memory_space<hbm>> -> memref<640x128xf32, #tpu.memory_space<hbm>>
      tpu.enqueue_dma source(%dma_start3A_42 : memref<640x128xf32, #tpu.memory_space<hbm>>) target(%dma_start3A_40 : memref<640x128xf32, #tpu.memory_space<vmem_shared>>) target_semaphore(%run_scoped3A : memref<!tpu.dma_semaphore, #tpu.memory_space<semaphore_mem>>)
      %dma_wait3A_43 = arith.constant 0 : i32
      %dma_wait3A_44 = tpu.memref_slice %arg10[%mul3A_2, %dma_wait3A_43] : memref<10240x128xf32, #tpu.memory_space<vmem_shared>> -> memref<640x128xf32, #tpu.memory_space<vmem_shared>>
      %dma_wait3A_45 = arith.constant 0 : i32
      %dma_wait3A_46 = tpu.memref_slice %arg5[%mul3A_0, %dma_wait3A_45] : memref<10240x128xf32, #tpu.memory_space<hbm>> -> memref<640x128xf32, #tpu.memory_space<hbm>>
      tpu.wait_dma2 semaphore(%run_scoped3A : memref<!tpu.dma_semaphore, #tpu.memory_space<semaphore_mem>>) src(%dma_wait3A_46 : memref<640x128xf32, #tpu.memory_space<hbm>>) dst(%dma_wait3A_44 : memref<640x128xf32, #tpu.memory_space<vmem_shared>>)
      tpu.yield
    }) : () -> ()
    %barrier3A = arith.constant 0 : index
    tpu.barrier barrier_id(%barrier3A)
    "tpu.region"() ({
      %run_scoped3A = tpu.sem_alloc : memref<!tpu.dma_semaphore, #tpu.memory_space<semaphore_mem>>
      %dma_start3A_39 = arith.constant 0 : i32
      %dma_start3A_40 = arith.constant 0 : i32
      %dma_start3A_41 = tpu.memref_slice %arg3[%arg0, %arg1, %dma_start3A_39, %dma_start3A_40] : memref<2x16x80x128xi32, #tpu.memory_space<hbm>> -> memref<1x1x80x128xi32, #tpu.memory_space<hbm>>
      %dma_start3A_42 = tpu.memref_squeeze %dma_start3A_41 : memref<1x1x80x128xi32, #tpu.memory_space<hbm>> -> memref<80x128xi32, #tpu.memory_space<hbm>>
      %dma_start3A_43 = arith.constant 0 : i32
      %dma_start3A_44 = arith.constant 0 : i32
      %dma_start3A_45 = tpu.memref_slice %arg3[%arg0, %arg1, %dma_start3A_43, %dma_start3A_44] : memref<2x16x80x128xi32, #tpu.memory_space<hbm>> -> memref<1x1x80x128xi32, #tpu.memory_space<hbm>>
      %dma_start3A_46 = tpu.memref_squeeze %dma_start3A_45 : memref<1x1x80x128xi32, #tpu.memory_space<hbm>> -> memref<80x128xi32, #tpu.memory_space<hbm>>
      tpu.enqueue_dma source(%dma_start3A_46 : memref<80x128xi32, #tpu.memory_space<hbm>>) target(%arg7 : memref<80x128xi32, #tpu.memory_space<vmem>>) target_semaphore(%run_scoped3A : memref<!tpu.dma_semaphore, #tpu.memory_space<semaphore_mem>>)
      %dma_wait3A_47 = arith.constant 0 : i32
      %dma_wait3A_48 = arith.constant 0 : i32
      %dma_wait3A_49 = tpu.memref_slice %arg3[%arg0, %arg1, %dma_wait3A_47, %dma_wait3A_48] : memref<2x16x80x128xi32, #tpu.memory_space<hbm>> -> memref<1x1x80x128xi32, #tpu.memory_space<hbm>>
      %dma_wait3A_50 = tpu.memref_squeeze %dma_wait3A_49 : memref<1x1x80x128xi32, #tpu.memory_space<hbm>> -> memref<80x128xi32, #tpu.memory_space<hbm>>
      %dma_wait3A_51 = arith.constant 0 : i32
      %dma_wait3A_52 = arith.constant 0 : i32
      %dma_wait3A_53 = tpu.memref_slice %arg3[%arg0, %arg1, %dma_wait3A_51, %dma_wait3A_52] : memref<2x16x80x128xi32, #tpu.memory_space<hbm>> -> memref<1x1x80x128xi32, #tpu.memory_space<hbm>>
      %dma_wait3A_54 = tpu.memref_squeeze %dma_wait3A_53 : memref<1x1x80x128xi32, #tpu.memory_space<hbm>> -> memref<80x128xi32, #tpu.memory_space<hbm>>
      tpu.wait_dma2 semaphore(%run_scoped3A : memref<!tpu.dma_semaphore, #tpu.memory_space<semaphore_mem>>) src(%dma_wait3A_54 : memref<80x128xi32, #tpu.memory_space<hbm>>) dst(%arg7 : memref<80x128xi32, #tpu.memory_space<vmem>>)
      tpu.yield
    }) : () -> ()
    "tpu.region"() ({
      %run_scoped3A = tpu.sem_alloc : memref<!tpu.dma_semaphore, #tpu.memory_space<semaphore_mem>>
      %dma_start3A_39 = arith.constant 0 : i32
      %dma_start3A_40 = arith.constant 0 : i32
      %dma_start3A_41 = tpu.memref_slice %arg4[%arg0, %arg1, %dma_start3A_39, %dma_start3A_40] : memref<2x16x80x128xi32, #tpu.memory_space<hbm>> -> memref<1x1x80x128xi32, #tpu.memory_space<hbm>>
      %dma_start3A_42 = tpu.memref_squeeze %dma_start3A_41 : memref<1x1x80x128xi32, #tpu.memory_space<hbm>> -> memref<80x128xi32, #tpu.memory_space<hbm>>
      %dma_start3A_43 = arith.constant 0 : i32
      %dma_start3A_44 = arith.constant 0 : i32
      %dma_start3A_45 = tpu.memref_slice %arg4[%arg0, %arg1, %dma_start3A_43, %dma_start3A_44] : memref<2x16x80x128xi32, #tpu.memory_space<hbm>> -> memref<1x1x80x128xi32, #tpu.memory_space<hbm>>
      %dma_start3A_46 = tpu.memref_squeeze %dma_start3A_45 : memref<1x1x80x128xi32, #tpu.memory_space<hbm>> -> memref<80x128xi32, #tpu.memory_space<hbm>>
      tpu.enqueue_dma source(%dma_start3A_46 : memref<80x128xi32, #tpu.memory_space<hbm>>) target(%arg8 : memref<80x128xi32, #tpu.memory_space<vmem>>) target_semaphore(%run_scoped3A : memref<!tpu.dma_semaphore, #tpu.memory_space<semaphore_mem>>)
      %dma_wait3A_47 = arith.constant 0 : i32
      %dma_wait3A_48 = arith.constant 0 : i32
      %dma_wait3A_49 = tpu.memref_slice %arg4[%arg0, %arg1, %dma_wait3A_47, %dma_wait3A_48] : memref<2x16x80x128xi32, #tpu.memory_space<hbm>> -> memref<1x1x80x128xi32, #tpu.memory_space<hbm>>
      %dma_wait3A_50 = tpu.memref_squeeze %dma_wait3A_49 : memref<1x1x80x128xi32, #tpu.memory_space<hbm>> -> memref<80x128xi32, #tpu.memory_space<hbm>>
      %dma_wait3A_51 = arith.constant 0 : i32
      %dma_wait3A_52 = arith.constant 0 : i32
      %dma_wait3A_53 = tpu.memref_slice %arg4[%arg0, %arg1, %dma_wait3A_51, %dma_wait3A_52] : memref<2x16x80x128xi32, #tpu.memory_space<hbm>> -> memref<1x1x80x128xi32, #tpu.memory_space<hbm>>
      %dma_wait3A_54 = tpu.memref_squeeze %dma_wait3A_53 : memref<1x1x80x128xi32, #tpu.memory_space<hbm>> -> memref<80x128xi32, #tpu.memory_space<hbm>>
      tpu.wait_dma2 semaphore(%run_scoped3A : memref<!tpu.dma_semaphore, #tpu.memory_space<semaphore_mem>>) src(%dma_wait3A_54 : memref<80x128xi32, #tpu.memory_space<hbm>>) dst(%arg8 : memref<80x128xi32, #tpu.memory_space<vmem>>)
      tpu.yield
    }) : () -> ()
    %dma_start3A = arith.constant 0 : i32
    %dma_start3A_3 = arith.constant 0 : i32
    %dma_start3A_4 = tpu.memref_slice %arg7[%dma_start3A, %dma_start3A_3] : memref<80x128xi32, #tpu.memory_space<vmem>> -> memref<1x128xi32, #tpu.memory_space<vmem>>
    %dma_start3A_5 = tpu.memref_squeeze %dma_start3A_4 : memref<1x128xi32, #tpu.memory_space<vmem>> -> memref<128xi32, #tpu.memory_space<vmem>>
    %dma_start3A_6 = arith.constant 0 : i32
    %dma_start3A_7 = arith.constant 0 : i32
    %dma_start3A_8 = tpu.memref_slice %arg2[%dma_start3A_6, %dma_start3A_7] : memref<10000x128xf32, #tpu.memory_space<hbm>> -> memref<10000x128xf32, #tpu.memory_space<hbm>>
    tpu.enqueue_indirect_dma source(%dma_start3A_8 : memref<10000x128xf32, #tpu.memory_space<hbm>>) target(%arg9 : memref<128x128xf32, #tpu.memory_space<vmem>>) offsets(%dma_start3A_5 : memref<128xi32, #tpu.memory_space<vmem>>) semaphore(%arg11 : memref<!tpu.dma_semaphore, #tpu.memory_space<semaphore_mem>>)
    %dma_wait3A = arith.constant 0 : i32
    %dma_wait3A_9 = arith.constant 0 : i32
    %dma_wait3A_10 = tpu.memref_slice %arg7[%dma_wait3A, %dma_wait3A_9] : memref<80x128xi32, #tpu.memory_space<vmem>> -> memref<1x128xi32, #tpu.memory_space<vmem>>
    %dma_wait3A_11 = tpu.memref_squeeze %dma_wait3A_10 : memref<1x128xi32, #tpu.memory_space<vmem>> -> memref<128xi32, #tpu.memory_space<vmem>>
    %dma_wait3A_12 = arith.constant 0 : i32
    %dma_wait3A_13 = arith.constant 0 : i32
    %dma_wait3A_14 = tpu.memref_slice %arg2[%dma_wait3A_12, %dma_wait3A_13] : memref<10000x128xf32, #tpu.memory_space<hbm>> -> memref<10000x128xf32, #tpu.memory_space<hbm>>
    tpu.wait_indirect_dma semaphore(%arg11 : memref<!tpu.dma_semaphore, #tpu.memory_space<semaphore_mem>>) src(%dma_wait3A_14 : memref<10000x128xf32, #tpu.memory_space<hbm>>) dst(%arg9 : memref<128x128xf32, #tpu.memory_space<vmem>>)
    %dma_start3A_15 = arith.constant 0 : i32
    %dma_start3A_16 = arith.constant 0 : i32
    %dma_start3A_17 = tpu.memref_slice %arg8[%dma_start3A_15, %dma_start3A_16] : memref<80x128xi32, #tpu.memory_space<vmem>> -> memref<1x128xi32, #tpu.memory_space<vmem>>
    %dma_start3A_18 = tpu.memref_squeeze %dma_start3A_17 : memref<1x128xi32, #tpu.memory_space<vmem>> -> memref<128xi32, #tpu.memory_space<vmem>>
    %dma_start3A_19 = arith.constant 0 : i32
    %dma_start3A_20 = arith.constant 0 : i32
    %dma_start3A_21 = tpu.memref_slice %arg10[%dma_start3A_19, %dma_start3A_20] : memref<10240x128xf32, #tpu.memory_space<vmem_shared>> -> memref<10240x128xf32, #tpu.memory_space<vmem_shared>>
    tpu.enqueue_indirect_dma source(%arg9 : memref<128x128xf32, #tpu.memory_space<vmem>>) target(%dma_start3A_21 : memref<10240x128xf32, #tpu.memory_space<vmem_shared>>) offsets(%dma_start3A_18 : memref<128xi32, #tpu.memory_space<vmem>>) semaphore(%arg12 : memref<!tpu.dma_semaphore, #tpu.memory_space<semaphore_mem>>) {add = true}
    %scan3A = arith.constant 0 : i32
    %scan3A_22 = arith.constant 1 : i32
    %scan3A_23 = arith.constant 79 : i32
    %scan3A_24 = arith.addi %scan3A_22, %scan3A_23 : i32
    %scan3A_25 = arith.constant 1 : i32
    scf.for %scan3A_39 = %scan3A_22 to %scan3A_24 step %scan3A_25  : i32 {
      %dma_wait3A_40 = arith.constant 0 : i32
      %dma_wait3A_41 = tpu.memref_slice %arg8[%scan3A_39, %dma_wait3A_40] : memref<80x128xi32, #tpu.memory_space<vmem>> -> memref<1x128xi32, #tpu.memory_space<vmem>>
      %dma_wait3A_42 = tpu.memref_squeeze %dma_wait3A_41 : memref<1x128xi32, #tpu.memory_space<vmem>> -> memref<128xi32, #tpu.memory_space<vmem>>
      %dma_wait3A_43 = arith.constant 0 : i32
      %dma_wait3A_44 = arith.constant 0 : i32
      %dma_wait3A_45 = tpu.memref_slice %arg10[%dma_wait3A_43, %dma_wait3A_44] : memref<10240x128xf32, #tpu.memory_space<vmem_shared>> -> memref<10240x128xf32, #tpu.memory_space<vmem_shared>>
      tpu.wait_indirect_dma semaphore(%arg12 : memref<!tpu.dma_semaphore, #tpu.memory_space<semaphore_mem>>) src(%arg9 : memref<128x128xf32, #tpu.memory_space<vmem>>) dst(%dma_wait3A_45 : memref<10240x128xf32, #tpu.memory_space<vmem_shared>>)
      %dma_start3A_46 = arith.constant 0 : i32
      %dma_start3A_47 = tpu.memref_slice %arg7[%scan3A_39, %dma_start3A_46] : memref<80x128xi32, #tpu.memory_space<vmem>> -> memref<1x128xi32, #tpu.memory_space<vmem>>
      %dma_start3A_48 = tpu.memref_squeeze %dma_start3A_47 : memref<1x128xi32, #tpu.memory_space<vmem>> -> memref<128xi32, #tpu.memory_space<vmem>>
      %dma_start3A_49 = arith.constant 0 : i32
      %dma_start3A_50 = arith.constant 0 : i32
      %dma_start3A_51 = tpu.memref_slice %arg2[%dma_start3A_49, %dma_start3A_50] : memref<10000x128xf32, #tpu.memory_space<hbm>> -> memref<10000x128xf32, #tpu.memory_space<hbm>>
      tpu.enqueue_indirect_dma source(%dma_start3A_51 : memref<10000x128xf32, #tpu.memory_space<hbm>>) target(%arg9 : memref<128x128xf32, #tpu.memory_space<vmem>>) offsets(%dma_start3A_48 : memref<128xi32, #tpu.memory_space<vmem>>) semaphore(%arg11 : memref<!tpu.dma_semaphore, #tpu.memory_space<semaphore_mem>>)
      %dma_wait3A_52 = arith.constant 0 : i32
      %dma_wait3A_53 = tpu.memref_slice %arg7[%scan3A_39, %dma_wait3A_52] : memref<80x128xi32, #tpu.memory_space<vmem>> -> memref<1x128xi32, #tpu.memory_space<vmem>>
      %dma_wait3A_54 = tpu.memref_squeeze %dma_wait3A_53 : memref<1x128xi32, #tpu.memory_space<vmem>> -> memref<128xi32, #tpu.memory_space<vmem>>
      %dma_wait3A_55 = arith.constant 0 : i32
      %dma_wait3A_56 = arith.constant 0 : i32
      %dma_wait3A_57 = tpu.memref_slice %arg2[%dma_wait3A_55, %dma_wait3A_56] : memref<10000x128xf32, #tpu.memory_space<hbm>> -> memref<10000x128xf32, #tpu.memory_space<hbm>>
      tpu.wait_indirect_dma semaphore(%arg11 : memref<!tpu.dma_semaphore, #tpu.memory_space<semaphore_mem>>) src(%dma_wait3A_57 : memref<10000x128xf32, #tpu.memory_space<hbm>>) dst(%arg9 : memref<128x128xf32, #tpu.memory_space<vmem>>)
      %dma_start3A_58 = arith.constant 0 : i32
      %dma_start3A_59 = tpu.memref_slice %arg8[%scan3A_39, %dma_start3A_58] : memref<80x128xi32, #tpu.memory_space<vmem>> -> memref<1x128xi32, #tpu.memory_space<vmem>>
      %dma_start3A_60 = tpu.memref_squeeze %dma_start3A_59 : memref<1x128xi32, #tpu.memory_space<vmem>> -> memref<128xi32, #tpu.memory_space<vmem>>
      %dma_start3A_61 = arith.constant 0 : i32
      %dma_start3A_62 = arith.constant 0 : i32
      %dma_start3A_63 = tpu.memref_slice %arg10[%dma_start3A_61, %dma_start3A_62] : memref<10240x128xf32, #tpu.memory_space<vmem_shared>> -> memref<10240x128xf32, #tpu.memory_space<vmem_shared>>
      tpu.enqueue_indirect_dma source(%arg9 : memref<128x128xf32, #tpu.memory_space<vmem>>) target(%dma_start3A_63 : memref<10240x128xf32, #tpu.memory_space<vmem_shared>>) offsets(%dma_start3A_60 : memref<128xi32, #tpu.memory_space<vmem>>) semaphore(%arg12 : memref<!tpu.dma_semaphore, #tpu.memory_space<semaphore_mem>>) {add = true}
    }
    %scan3A_26 = arith.constant 79 : i32
    %dma_wait3A_27 = arith.constant 0 : i32
    %dma_wait3A_28 = arith.constant 0 : i32
    %dma_wait3A_29 = tpu.memref_slice %arg8[%dma_wait3A_27, %dma_wait3A_28] : memref<80x128xi32, #tpu.memory_space<vmem>> -> memref<1x128xi32, #tpu.memory_space<vmem>>
    %dma_wait3A_30 = tpu.memref_squeeze %dma_wait3A_29 : memref<1x128xi32, #tpu.memory_space<vmem>> -> memref<128xi32, #tpu.memory_space<vmem>>
    %dma_wait3A_31 = arith.constant 0 : i32
    %dma_wait3A_32 = arith.constant 0 : i32
    %dma_wait3A_33 = tpu.memref_slice %arg10[%dma_wait3A_31, %dma_wait3A_32] : memref<10240x128xf32, #tpu.memory_space<vmem_shared>> -> memref<10240x128xf32, #tpu.memory_space<vmem_shared>>
    tpu.wait_indirect_dma semaphore(%arg12 : memref<!tpu.dma_semaphore, #tpu.memory_space<semaphore_mem>>) src(%arg9 : memref<128x128xf32, #tpu.memory_space<vmem>>) dst(%dma_wait3A_33 : memref<10240x128xf32, #tpu.memory_space<vmem_shared>>)
    %barrier3A_34 = arith.constant 0 : index
    tpu.barrier barrier_id(%barrier3A_34)
    %mul3A_35 = arith.constant 640 : i32
    %mul3A_36 = arith.muli %arg1, %mul3A_35 : i32
    %mul3A_37 = arith.constant 640 : i32
    %mul3A_38 = arith.muli %arg1, %mul3A_37 : i32
    "tpu.region"() ({
      %run_scoped3A = tpu.sem_alloc : memref<!tpu.dma_semaphore, #tpu.memory_space<semaphore_mem>>
      %dma_start3A_39 = arith.constant 0 : i32
      %dma_start3A_40 = tpu.memref_slice %arg6[%arg0, %mul3A_38, %dma_start3A_39] : memref<2x10240x128xf32, #tpu.memory_space<hbm>> -> memref<1x640x128xf32, #tpu.memory_space<hbm>>
      %dma_start3A_41 = tpu.memref_squeeze %dma_start3A_40 : memref<1x640x128xf32, #tpu.memory_space<hbm>> -> memref<640x128xf32, #tpu.memory_space<hbm>>
      %dma_start3A_42 = arith.constant 0 : i32
      %dma_start3A_43 = tpu.memref_slice %arg10[%mul3A_36, %dma_start3A_42] : memref<10240x128xf32, #tpu.memory_space<vmem_shared>> -> memref<640x128xf32, #tpu.memory_space<vmem_shared>>
      tpu.enqueue_dma source(%dma_start3A_43 : memref<640x128xf32, #tpu.memory_space<vmem_shared>>) target(%dma_start3A_41 : memref<640x128xf32, #tpu.memory_space<hbm>>) target_semaphore(%run_scoped3A : memref<!tpu.dma_semaphore, #tpu.memory_space<semaphore_mem>>)
      %dma_wait3A_44 = arith.constant 0 : i32
      %dma_wait3A_45 = tpu.memref_slice %arg6[%arg0, %mul3A_38, %dma_wait3A_44] : memref<2x10240x128xf32, #tpu.memory_space<hbm>> -> memref<1x640x128xf32, #tpu.memory_space<hbm>>
      %dma_wait3A_46 = tpu.memref_squeeze %dma_wait3A_45 : memref<1x640x128xf32, #tpu.memory_space<hbm>> -> memref<640x128xf32, #tpu.memory_space<hbm>>
      %dma_wait3A_47 = arith.constant 0 : i32
      %dma_wait3A_48 = tpu.memref_slice %arg10[%mul3A_36, %dma_wait3A_47] : memref<10240x128xf32, #tpu.memory_space<vmem_shared>> -> memref<640x128xf32, #tpu.memory_space<vmem_shared>>
      tpu.wait_dma2 semaphore(%run_scoped3A : memref<!tpu.dma_semaphore, #tpu.memory_space<semaphore_mem>>) src(%dma_wait3A_48 : memref<640x128xf32, #tpu.memory_space<vmem_shared>>) dst(%dma_wait3A_46 : memref<640x128xf32, #tpu.memory_space<hbm>>)
      tpu.yield
    }) : () -> ()
    return
  }
}

module attributes {stable_mosaic.version = 14 : i64} {
  func.func @_embed_body(%arg0: i32, %arg1: memref<2000x128xf32, #tpu.memory_space<vmem>>, %arg2: memref<128x128xf32, #tpu.memory_space<vmem>>, %arg3: memref<1x128xf32, #tpu.memory_space<vmem>>, %arg4: memref<2000x128xf32, #tpu.memory_space<vmem>>) attributes {dimension_semantics = [#tpu.dimension_semantics<arbitrary>], iteration_bounds = array<i64: 5>, scalar_prefetch = 0 : i64, scratch_operands = 0 : i64, tpu.core_type = #tpu.core_type<tc>, window_params = [{transform_indices = @transform_0, window_bounds = array<i64: 2000, 128>}, {pipeline_mode = #tpu.pipeline_mode<synchronous>, transform_indices = @transform_1, window_bounds = array<i64: 128, 128>}, {pipeline_mode = #tpu.pipeline_mode<synchronous>, transform_indices = @transform_2, window_bounds = array<i64: 1, 128>}, {transform_indices = @transform_3, window_bounds = array<i64: 2000, 128>}]} {
    %get3A = arith.constant 0 : index
    %get3A_0 = arith.constant 0 : index
    %get3A_1 = vector.load %arg1[%get3A, %get3A_0] : memref<2000x128xf32, #tpu.memory_space<vmem>>, vector<2000x128xf32>
    %get3A_2 = arith.constant 0 : index
    %get3A_3 = arith.constant 0 : index
    %get3A_4 = vector.load %arg2[%get3A_2, %get3A_3] : memref<128x128xf32, #tpu.memory_space<vmem>>, vector<128x128xf32>
    %dot_general3A = arith.constant dense<0.000000e+00> : vector<2000x128xf32>
    %dot_general3A_5 = tpu.matmul %get3A_1, %get3A_4, %dot_general3A {dimension_numbers = #tpu.dot_dimension_numbers<[1], [0], [0], [1], [0, 0, 1, 1], [], []>, transpose_lhs_hint = false} : vector<2000x128xf32>, vector<128x128xf32>, vector<2000x128xf32> -> vector<2000x128xf32>
    %get3A_6 = arith.constant 0 : index
    %get3A_7 = arith.constant 0 : index
    %get3A_8 = vector.load %arg3[%get3A_6, %get3A_7] : memref<1x128xf32, #tpu.memory_space<vmem>>, vector<1x128xf32>
    %add3A = vector.broadcast %get3A_8 : vector<1x128xf32> to vector<2000x128xf32>
    %add3A_9 = arith.addf %dot_general3A_5, %add3A : vector<2000x128xf32>
    %max3A = arith.constant 0.000000e+00 : f32
    %max3A_10 = vector.broadcast %max3A : f32 to vector<2000x128xf32>
    %max3A_11 = arith.maximumf %add3A_9, %max3A_10 : vector<2000x128xf32>
    %swap3A = arith.constant 0 : index
    %swap3A_12 = arith.constant 0 : index
    %swap3A_13 = vector.load %arg4[%swap3A, %swap3A_12] : memref<2000x128xf32, #tpu.memory_space<vmem>>, vector<2000x128xf32>
    tpu.vector_store %arg4[%swap3A, %swap3A_12], %max3A_11 {strides = array<i32>} : memref<2000x128xf32, #tpu.memory_space<vmem>>, vector<2000x128xf32>,
    return
  }
  func.func @transform_0(%arg0: i32) -> (i32, i32) {
    %c0_i32 = arith.constant 0 : i32
    %c0_i32_0 = arith.constant 0 : i32
    return %arg0, %c0_i32 : i32, i32
  }
  func.func @transform_1(%arg0: i32) -> (i32, i32) {
    %c0_i32 = arith.constant 0 : i32
    %c0_i32_0 = arith.constant 0 : i32
    %c0_i32_1 = arith.constant 0 : i32
    return %c0_i32, %c0_i32_0 : i32, i32
  }
  func.func @transform_2(%arg0: i32) -> (i32, i32) {
    %c0_i32 = arith.constant 0 : i32
    %c0_i32_0 = arith.constant 0 : i32
    %c0_i32_1 = arith.constant 0 : i32
    return %c0_i32, %c0_i32_0 : i32, i32
  }
  func.func @transform_3(%arg0: i32) -> (i32, i32) {
    %c0_i32 = arith.constant 0 : i32
    %c0_i32_0 = arith.constant 0 : i32
    return %arg0, %c0_i32 : i32, i32
  }
}

module attributes {stable_mosaic.version = 14 : i64} {
  func.func @_layer_body(%arg0: i32, %arg1: memref<1x1xf32, #tpu.memory_space<vmem>>, %arg2: memref<2000x128xf32, #tpu.memory_space<vmem>>, %arg3: memref<2000x128xf32, #tpu.memory_space<vmem>>, %arg4: memref<2000x128xf32, #tpu.memory_space<vmem>>, %arg5: memref<128x256xf32, #tpu.memory_space<vmem>>, %arg6: memref<1x256xf32, #tpu.memory_space<vmem>>, %arg7: memref<1x256xf32, #tpu.memory_space<vmem>>, %arg8: memref<1x256xf32, #tpu.memory_space<vmem>>, %arg9: memref<256x128xf32, #tpu.memory_space<vmem>>, %arg10: memref<1x128xf32, #tpu.memory_space<vmem>>, %arg11: memref<1x128xf32, #tpu.memory_space<vmem>>, %arg12: memref<1x128xf32, #tpu.memory_space<vmem>>, %arg13: memref<2000x128xf32, #tpu.memory_space<vmem>>) attributes {dimension_semantics = [#tpu.dimension_semantics<arbitrary>], iteration_bounds = array<i64: 5>, scalar_prefetch = 0 : i64, scratch_operands = 0 : i64, tpu.core_type = #tpu.core_type<tc>, window_params = [{pipeline_mode = #tpu.pipeline_mode<synchronous>, transform_indices = @transform_0, window_bounds = array<i64: 1, 1>}, {transform_indices = @transform_1, window_bounds = array<i64: 2000, 128>}, {transform_indices = @transform_2, window_bounds = array<i64: 2000, 128>}, {transform_indices = @transform_3, window_bounds = array<i64: 2000, 128>}, {pipeline_mode = #tpu.pipeline_mode<synchronous>, transform_indices = @transform_4, window_bounds = array<i64: 128, 256>}, {pipeline_mode = #tpu.pipeline_mode<synchronous>, transform_indices = @transform_5, window_bounds = array<i64: 1, 256>}, {pipeline_mode = #tpu.pipeline_mode<synchronous>, transform_indices = @transform_6, window_bounds = array<i64: 1, 256>}, {pipeline_mode = #tpu.pipeline_mode<synchronous>, transform_indices = @transform_7, window_bounds = array<i64: 1, 256>}, {pipeline_mode = #tpu.pipeline_mode<synchronous>, transform_indices = @transform_8, window_bounds = array<i64: 256, 128>}, {pipeline_mode = #tpu.pipeline_mode<synchronous>, transform_indices = @transform_9, window_bounds = array<i64: 1, 128>}, {pipeline_mode = #tpu.pipeline_mode<synchronous>, transform_indices = @transform_10, window_bounds = array<i64: 1, 128>}, {pipeline_mode = #tpu.pipeline_mode<synchronous>, transform_indices = @transform_11, window_bounds = array<i64: 1, 128>}, {transform_indices = @transform_12, window_bounds = array<i64: 2000, 128>}]} {
    %get3A = arith.constant 0 : index
    %get3A_0 = arith.constant 0 : index
    %get3A_1 = vector.load %arg2[%get3A, %get3A_0] : memref<2000x128xf32, #tpu.memory_space<vmem>>, vector<2000x128xf32>
    %get3A_2 = arith.constant 0 : index
    %get3A_3 = arith.constant 0 : index
    %get3A_4 = vector.load %arg1[%get3A_2, %get3A_3] : memref<1x1xf32, #tpu.memory_space<vmem>>, vector<1x1xf32>
    %get3A_5 = vector.extract %get3A_4[0, 0] : f32 from vector<1x1xf32>
    %mul3A = vector.broadcast %get3A_5 : f32 to vector<2000x128xf32>
    %mul3A_6 = arith.mulf %mul3A, %get3A_1 : vector<2000x128xf32>
    %get3A_7 = arith.constant 0 : index
    %get3A_8 = arith.constant 0 : index
    %get3A_9 = vector.load %arg3[%get3A_7, %get3A_8] : memref<2000x128xf32, #tpu.memory_space<vmem>>, vector<2000x128xf32>
    %add3A = arith.addf %mul3A_6, %get3A_9 : vector<2000x128xf32>
    %get3A_10 = arith.constant 0 : index
    %get3A_11 = arith.constant 0 : index
    %get3A_12 = vector.load %arg4[%get3A_10, %get3A_11] : memref<2000x128xf32, #tpu.memory_space<vmem>>, vector<2000x128xf32>
    %add3A_13 = arith.addf %add3A, %get3A_12 : vector<2000x128xf32>
    %get3A_14 = arith.constant 0 : index
    %get3A_15 = arith.constant 0 : index
    %get3A_16 = vector.load %arg5[%get3A_14, %get3A_15] : memref<128x256xf32, #tpu.memory_space<vmem>>, vector<128x256xf32>
    %dot_general3A = arith.constant dense<0.000000e+00> : vector<2000x256xf32>
    %dot_general3A_17 = tpu.matmul %add3A_13, %get3A_16, %dot_general3A {dimension_numbers = #tpu.dot_dimension_numbers<[1], [0], [0], [1], [0, 0, 1, 1], [], []>, transpose_lhs_hint = false} : vector<2000x128xf32>, vector<128x256xf32>, vector<2000x256xf32> -> vector<2000x256xf32>
    %get3A_18 = arith.constant 0 : index
    %get3A_19 = arith.constant 0 : index
    %get3A_20 = vector.load %arg6[%get3A_18, %get3A_19] : memref<1x256xf32, #tpu.memory_space<vmem>>, vector<1x256xf32>
    %add3A_21 = vector.broadcast %get3A_20 : vector<1x256xf32> to vector<2000x256xf32>
    %add3A_22 = arith.addf %dot_general3A_17, %add3A_21 : vector<2000x256xf32>
    %get3A_23 = arith.constant 0 : index
    %get3A_24 = arith.constant 0 : index
    %get3A_25 = vector.load %arg7[%get3A_23, %get3A_24] : memref<1x256xf32, #tpu.memory_space<vmem>>, vector<1x256xf32>
    %mul3A_26 = arith.constant 0.999994993 : f32
    %mul3A_27 = vector.broadcast %mul3A_26 : f32 to vector<1x256xf32>
    %mul3A_28 = arith.mulf %mul3A_27, %get3A_25 : vector<1x256xf32>
    %mul3A_29 = vector.broadcast %mul3A_28 : vector<1x256xf32> to vector<2000x256xf32>
    %mul3A_30 = arith.mulf %add3A_22, %mul3A_29 : vector<2000x256xf32>
    %get3A_31 = arith.constant 0 : index
    %get3A_32 = arith.constant 0 : index
    %get3A_33 = vector.load %arg8[%get3A_31, %get3A_32] : memref<1x256xf32, #tpu.memory_space<vmem>>, vector<1x256xf32>
    %add3A_34 = vector.broadcast %get3A_33 : vector<1x256xf32> to vector<2000x256xf32>
    %add3A_35 = arith.addf %mul3A_30, %add3A_34 : vector<2000x256xf32>
    %max3A = arith.constant 0.000000e+00 : f32
    %max3A_36 = vector.broadcast %max3A : f32 to vector<2000x256xf32>
    %max3A_37 = arith.maximumf %add3A_35, %max3A_36 : vector<2000x256xf32>
    %get3A_38 = arith.constant 0 : index
    %get3A_39 = arith.constant 0 : index
    %get3A_40 = vector.load %arg9[%get3A_38, %get3A_39] : memref<256x128xf32, #tpu.memory_space<vmem>>, vector<256x128xf32>
    %dot_general3A_41 = arith.constant dense<0.000000e+00> : vector<2000x128xf32>
    %dot_general3A_42 = tpu.matmul %max3A_37, %get3A_40, %dot_general3A_41 {dimension_numbers = #tpu.dot_dimension_numbers<[1], [0], [0], [1], [0, 0, 1, 1], [], []>, transpose_lhs_hint = false} : vector<2000x256xf32>, vector<256x128xf32>, vector<2000x128xf32> -> vector<2000x128xf32>
    %get3A_43 = arith.constant 0 : index
    %get3A_44 = arith.constant 0 : index
    %get3A_45 = vector.load %arg10[%get3A_43, %get3A_44] : memref<1x128xf32, #tpu.memory_space<vmem>>, vector<1x128xf32>
    %add3A_46 = vector.broadcast %get3A_45 : vector<1x128xf32> to vector<2000x128xf32>
    %add3A_47 = arith.addf %dot_general3A_42, %add3A_46 : vector<2000x128xf32>
    %get3A_48 = arith.constant 0 : index
    %get3A_49 = arith.constant 0 : index
    %get3A_50 = vector.load %arg11[%get3A_48, %get3A_49] : memref<1x128xf32, #tpu.memory_space<vmem>>, vector<1x128xf32>
    %mul3A_51 = arith.constant 0.999994993 : f32
    %mul3A_52 = vector.broadcast %mul3A_51 : f32 to vector<1x128xf32>
    %mul3A_53 = arith.mulf %mul3A_52, %get3A_50 : vector<1x128xf32>
    %mul3A_54 = vector.broadcast %mul3A_53 : vector<1x128xf32> to vector<2000x128xf32>
    %mul3A_55 = arith.mulf %add3A_47, %mul3A_54 : vector<2000x128xf32>
    %get3A_56 = arith.constant 0 : index
    %get3A_57 = arith.constant 0 : index
    %get3A_58 = vector.load %arg12[%get3A_56, %get3A_57] : memref<1x128xf32, #tpu.memory_space<vmem>>, vector<1x128xf32>
    %add3A_59 = vector.broadcast %get3A_58 : vector<1x128xf32> to vector<2000x128xf32>
    %add3A_60 = arith.addf %mul3A_55, %add3A_59 : vector<2000x128xf32>
    %max3A_61 = arith.constant 0.000000e+00 : f32
    %max3A_62 = vector.broadcast %max3A_61 : f32 to vector<2000x128xf32>
    %max3A_63 = arith.maximumf %add3A_60, %max3A_62 : vector<2000x128xf32>
    %add3A_64 = arith.addf %max3A_63, %get3A_1 : vector<2000x128xf32>
    %swap3A = arith.constant 0 : index
    %swap3A_65 = arith.constant 0 : index
    %swap3A_66 = vector.load %arg13[%swap3A, %swap3A_65] : memref<2000x128xf32, #tpu.memory_space<vmem>>, vector<2000x128xf32>
    tpu.vector_store %arg13[%swap3A, %swap3A_65], %add3A_64 {strides = array<i32>} : memref<2000x128xf32, #tpu.memory_space<vmem>>, vector<2000x128xf32>,
    return
  }
  func.func @transform_0(%arg0: i32) -> (i32, i32) {
    %c0_i32 = arith.constant 0 : i32
    %c0_i32_0 = arith.constant 0 : i32
    %c0_i32_1 = arith.constant 0 : i32
    return %c0_i32, %c0_i32_0 : i32, i32
  }
  func.func @transform_1(%arg0: i32) -> (i32, i32) {
    %c0_i32 = arith.constant 0 : i32
    %c0_i32_0 = arith.constant 0 : i32
    return %arg0, %c0_i32 : i32, i32
  }
  func.func @transform_2(%arg0: i32) -> (i32, i32) {
    %c0_i32 = arith.constant 0 : i32
    %c0_i32_0 = arith.constant 0 : i32
    return %arg0, %c0_i32 : i32, i32
  }
  func.func @transform_3(%arg0: i32) -> (i32, i32) {
    %c0_i32 = arith.constant 0 : i32
    %c0_i32_0 = arith.constant 0 : i32
    return %arg0, %c0_i32 : i32, i32
  }
  func.func @transform_4(%arg0: i32) -> (i32, i32) {
    %c0_i32 = arith.constant 0 : i32
    %c0_i32_0 = arith.constant 0 : i32
    %c0_i32_1 = arith.constant 0 : i32
    return %c0_i32, %c0_i32_0 : i32, i32
  }
  func.func @transform_5(%arg0: i32) -> (i32, i32) {
    %c0_i32 = arith.constant 0 : i32
    %c0_i32_0 = arith.constant 0 : i32
    %c0_i32_1 = arith.constant 0 : i32
    return %c0_i32, %c0_i32_0 : i32, i32
  }
  func.func @transform_6(%arg0: i32) -> (i32, i32) {
    %c0_i32 = arith.constant 0 : i32
    %c0_i32_0 = arith.constant 0 : i32
    %c0_i32_1 = arith.constant 0 : i32
    return %c0_i32, %c0_i32_0 : i32, i32
  }
  func.func @transform_7(%arg0: i32) -> (i32, i32) {
    %c0_i32 = arith.constant 0 : i32
    %c0_i32_0 = arith.constant 0 : i32
    %c0_i32_1 = arith.constant 0 : i32
    return %c0_i32, %c0_i32_0 : i32, i32
  }
  func.func @transform_8(%arg0: i32) -> (i32, i32) {
    %c0_i32 = arith.constant 0 : i32
    %c0_i32_0 = arith.constant 0 : i32
    %c0_i32_1 = arith.constant 0 : i32
    return %c0_i32, %c0_i32_0 : i32, i32
  }
  func.func @transform_9(%arg0: i32) -> (i32, i32) {
    %c0_i32 = arith.constant 0 : i32
    %c0_i32_0 = arith.constant 0 : i32
    %c0_i32_1 = arith.constant 0 : i32
    return %c0_i32, %c0_i32_0 : i32, i32
  }
  func.func @transform_10(%arg0: i32) -> (i32, i32) {
    %c0_i32 = arith.constant 0 : i32
    %c0_i32_0 = arith.constant 0 : i32
    %c0_i32_1 = arith.constant 0 : i32
    return %c0_i32, %c0_i32_0 : i32, i32
  }
  func.func @transform_11(%arg0: i32) -> (i32, i32) {
    %c0_i32 = arith.constant 0 : i32
    %c0_i32_0 = arith.constant 0 : i32
    %c0_i32_1 = arith.constant 0 : i32
    return %c0_i32, %c0_i32_0 : i32, i32
  }
  func.func @transform_12(%arg0: i32) -> (i32, i32) {
    %c0_i32 = arith.constant 0 : i32
    %c0_i32_0 = arith.constant 0 : i32
    return %arg0, %c0_i32 : i32, i32
  }
}

module attributes {stable_mosaic.version = 14 : i64} {
  func.func @_pool_body(%arg0: i32, %arg1: memref<10000xi32, #tpu.memory_space<smem>>, %arg2: memref<1000x64xf32, #tpu.memory_space<vmem>>, %arg3: memref<1000x1xf32, #tpu.memory_space<vmem>>, %arg4: memref<1000x128xf32, #tpu.memory_space<vmem>>, %arg5: memref<1000x128xf32, #tpu.memory_space<vmem>>, %arg6: memref<1000x128xf32, #tpu.memory_space<vmem>>, %arg7: memref<1000x128xf32, #tpu.memory_space<vmem>>, %arg8: memref<1024x256xf32, #tpu.memory_space<vmem>>, %arg9: memref<1x256xf32, #tpu.memory_space<vmem>>, %arg10: memref<1x256xf32, #tpu.memory_space<vmem>>, %arg11: memref<1x256xf32, #tpu.memory_space<vmem>>, %arg12: memref<256x128xf32, #tpu.memory_space<vmem>>, %arg13: memref<1x128xf32, #tpu.memory_space<vmem>>, %arg14: memref<1x128xf32, #tpu.memory_space<vmem>>, %arg15: memref<1x128xf32, #tpu.memory_space<vmem>>, %arg16: memref<128x64xf32, #tpu.memory_space<vmem>>, %arg17: memref<1x64xf32, #tpu.memory_space<vmem>>, %arg18: memref<1x64xf32, #tpu.memory_space<vmem>>, %arg19: memref<1x64xf32, #tpu.memory_space<vmem>>, %arg20: memref<64x1xf32, #tpu.memory_space<vmem>>, %arg21: memref<1x1xf32, #tpu.memory_space<vmem>>, %arg22: memref<64x1xf32, #tpu.memory_space<vmem>>, %arg23: memref<64x512xf32, #tpu.memory_space<vmem>>, %arg24: memref<64x128xf32, #tpu.memory_space<vmem>>, %arg25: memref<64x512xf32, #tpu.memory_space<vmem>>) attributes {dimension_semantics = [#tpu.dimension_semantics<arbitrary>], iteration_bounds = array<i64: 10>, scalar_prefetch = 0 : i64, scratch_operands = 0 : i64, tpu.core_type = #tpu.core_type<tc>, window_params = [{transform_indices = @transform_0, window_bounds = array<i64: 10000>}, {transform_indices = @transform_1, window_bounds = array<i64: 1000, 64>}, {transform_indices = @transform_2, window_bounds = array<i64: 1000, 1>}, {transform_indices = @transform_3, window_bounds = array<i64: 1000, 128>}, {transform_indices = @transform_4, window_bounds = array<i64: 1000, 128>}, {transform_indices = @transform_5, window_bounds = array<i64: 1000, 128>}, {transform_indices = @transform_6, window_bounds = array<i64: 1000, 128>}, {pipeline_mode = #tpu.pipeline_mode<synchronous>, transform_indices = @transform_7, window_bounds = array<i64: 1024, 256>}, {pipeline_mode = #tpu.pipeline_mode<synchronous>, transform_indices = @transform_8, window_bounds = array<i64: 1, 256>}, {pipeline_mode = #tpu.pipeline_mode<synchronous>, transform_indices = @transform_9, window_bounds = array<i64: 1, 256>}, {pipeline_mode = #tpu.pipeline_mode<synchronous>, transform_indices = @transform_10, window_bounds = array<i64: 1, 256>}, {pipeline_mode = #tpu.pipeline_mode<synchronous>, transform_indices = @transform_11, window_bounds = array<i64: 256, 128>}, {pipeline_mode = #tpu.pipeline_mode<synchronous>, transform_indices = @transform_12, window_bounds = array<i64: 1, 128>}, {pipeline_mode = #tpu.pipeline_mode<synchronous>, transform_indices = @transform_13, window_bounds = array<i64: 1, 128>}, {pipeline_mode = #tpu.pipeline_mode<synchronous>, transform_indices = @transform_14, window_bounds = array<i64: 1, 128>}, {pipeline_mode = #tpu.pipeline_mode<synchronous>, transform_indices = @transform_15, window_bounds = array<i64: 128, 64>}, {pipeline_mode = #tpu.pipeline_mode<synchronous>, transform_indices = @transform_16, window_bounds = array<i64: 1, 64>}, {pipeline_mode = #tpu.pipeline_mode<synchronous>, transform_indices = @transform_17, window_bounds = array<i64: 1, 64>}, {pipeline_mode = #tpu.pipeline_mode<synchronous>, transform_indices = @transform_18, window_bounds = array<i64: 1, 64>}, {pipeline_mode = #tpu.pipeline_mode<synchronous>, transform_indices = @transform_19, window_bounds = array<i64: 64, 1>}, {pipeline_mode = #tpu.pipeline_mode<synchronous>, transform_indices = @transform_20, window_bounds = array<i64: 1, 1>}, {pipeline_mode = #tpu.pipeline_mode<synchronous>, transform_indices = @transform_21, window_bounds = array<i64: 64, 1>}, {pipeline_mode = #tpu.pipeline_mode<synchronous>, transform_indices = @transform_22, window_bounds = array<i64: 64, 512>}, {pipeline_mode = #tpu.pipeline_mode<synchronous>, transform_indices = @transform_23, window_bounds = array<i64: 64, 128>}, {pipeline_mode = #tpu.pipeline_mode<synchronous>, transform_indices = @transform_24, window_bounds = array<i64: 64, 512>}]} {
    %eq3A = arith.constant 0 : i32
    %eq3A_0 = arith.cmpi eq, %arg0, %eq3A : i32
    %convert_element_type3A = arith.extui %eq3A_0 : i1 to i32
    %cond3A = arith.constant 0 : i32
    %cond3A_1 = arith.cmpi ne, %convert_element_type3A, %cond3A : i32
    scf.if %cond3A_1 {
      %broadcast_in_dim3A_62 = arith.constant 0.000000e+00 : f32
      %broadcast_in_dim3A_63 = vector.broadcast %broadcast_in_dim3A_62 : f32 to vector<64x512xf32>
      %swap3A_64 = arith.constant 0 : index
      %swap3A_65 = arith.constant 0 : index
      %swap3A_66 = vector.load %arg23[%swap3A_64, %swap3A_65] : memref<64x512xf32, #tpu.memory_space<vmem>>, vector<64x512xf32>
      tpu.vector_store %arg23[%swap3A_64, %swap3A_65], %broadcast_in_dim3A_63 {strides = array<i32>} : memref<64x512xf32, #tpu.memory_space<vmem>>, vector<64x512xf32>,
      %broadcast_in_dim3A_67 = arith.constant 0.000000e+00 : f32
      %broadcast_in_dim3A_68 = vector.broadcast %broadcast_in_dim3A_67 : f32 to vector<64x128xf32>
      %swap3A_69 = arith.constant 0 : index
      %swap3A_70 = arith.constant 0 : index
      %swap3A_71 = vector.load %arg24[%swap3A_69, %swap3A_70] : memref<64x128xf32, #tpu.memory_space<vmem>>, vector<64x128xf32>
      tpu.vector_store %arg24[%swap3A_69, %swap3A_70], %broadcast_in_dim3A_68 {strides = array<i32>} : memref<64x128xf32, #tpu.memory_space<vmem>>, vector<64x128xf32>,
      %broadcast_in_dim3A_72 = arith.constant 0xFF800000 : f32
      %broadcast_in_dim3A_73 = vector.broadcast %broadcast_in_dim3A_72 : f32 to vector<64x512xf32>
      %swap3A_74 = arith.constant 0 : index
      %swap3A_75 = arith.constant 0 : index
      %swap3A_76 = vector.load %arg25[%swap3A_74, %swap3A_75] : memref<64x512xf32, #tpu.memory_space<vmem>>, vector<64x512xf32>
      tpu.vector_store %arg25[%swap3A_74, %swap3A_75], %broadcast_in_dim3A_73 {strides = array<i32>} : memref<64x512xf32, #tpu.memory_space<vmem>>, vector<64x512xf32>,
    } else {
    }
    %get3A = arith.constant 0 : index
    %get3A_2 = arith.constant 0 : index
    %get3A_3 = vector.load %arg4[%get3A, %get3A_2] : memref<1000x128xf32, #tpu.memory_space<vmem>>, vector<1000x128xf32>
    %get3A_4 = arith.constant 0 : index
    %get3A_5 = arith.constant 0 : index
    %get3A_6 = vector.load %arg5[%get3A_4, %get3A_5] : memref<1000x128xf32, #tpu.memory_space<vmem>>, vector<1000x128xf32>
    %get3A_7 = arith.constant 0 : index
    %get3A_8 = arith.constant 0 : index
    %get3A_9 = vector.load %arg6[%get3A_7, %get3A_8] : memref<1000x128xf32, #tpu.memory_space<vmem>>, vector<1000x128xf32>
    %get3A_10 = arith.constant 0 : index
    %get3A_11 = arith.constant 0 : index
    %get3A_12 = vector.load %arg7[%get3A_10, %get3A_11] : memref<1000x128xf32, #tpu.memory_space<vmem>>, vector<1000x128xf32>
    %concatenate3A = tpu.concatenate %get3A_3, %get3A_6, %get3A_9, %get3A_12 in 1 : vector<1000x128xf32>, vector<1000x128xf32>, vector<1000x128xf32>, vector<1000x128xf32> -> vector<1000x512xf32>
    %get3A_13 = arith.constant 0 : index
    %get3A_14 = arith.constant 0 : index
    %get3A_15 = vector.load %arg2[%get3A_13, %get3A_14] : memref<1000x64xf32, #tpu.memory_space<vmem>>, vector<1000x64xf32>
    %get3A_16 = arith.constant 0 : index
    %get3A_17 = arith.constant 0 : index
    %get3A_18 = vector.load %arg23[%get3A_16, %get3A_17] : memref<64x512xf32, #tpu.memory_space<vmem>>, vector<64x512xf32>
    %dot_general3A = arith.constant dense<0.000000e+00> : vector<64x512xf32>
    %dot_general3A_19 = tpu.matmul %get3A_15, %concatenate3A, %dot_general3A {dimension_numbers = #tpu.dot_dimension_numbers<[0], [0], [1], [1], [0, 1, 1, 1], [], []>, transpose_lhs_hint = false} : vector<1000x64xf32>, vector<1000x512xf32>, vector<64x512xf32> -> vector<64x512xf32>
    %add3A = arith.addf %get3A_18, %dot_general3A_19 : vector<64x512xf32>
    %swap3A = arith.constant 0 : index
    %swap3A_20 = arith.constant 0 : index
    %swap3A_21 = vector.load %arg23[%swap3A, %swap3A_20] : memref<64x512xf32, #tpu.memory_space<vmem>>, vector<64x512xf32>
    tpu.vector_store %arg23[%swap3A, %swap3A_20], %add3A {strides = array<i32>} : memref<64x512xf32, #tpu.memory_space<vmem>>, vector<64x512xf32>,
    %broadcast_in_dim3A = arith.constant 1.000000e+00 : f32
    %broadcast_in_dim3A_22 = vector.broadcast %broadcast_in_dim3A : f32 to vector<1000x1xf32>
    %get3A_23 = arith.constant 0 : index
    %get3A_24 = arith.constant 0 : index
    %get3A_25 = vector.load %arg24[%get3A_23, %get3A_24] : memref<64x128xf32, #tpu.memory_space<vmem>>, vector<64x128xf32>
    %dot_general3A_26 = arith.constant dense<0.000000e+00> : vector<64x1xf32>
    %dot_general3A_27 = tpu.matmul %get3A_15, %broadcast_in_dim3A_22, %dot_general3A_26 {dimension_numbers = #tpu.dot_dimension_numbers<[0], [0], [1], [1], [0, 1, 1, 1], [], []>, transpose_lhs_hint = false} : vector<1000x64xf32>, vector<1000x1xf32>, vector<64x1xf32> -> vector<64x1xf32>
    %broadcast_in_dim3A_28 = vector.shape_cast %dot_general3A_27 : vector<64x1xf32> to vector<64x1xf32>
    %broadcast_in_dim3A_29 = vector.broadcast %broadcast_in_dim3A_28 : vector<64x1xf32> to vector<64x128xf32>
    %add3A_30 = arith.addf %get3A_25, %broadcast_in_dim3A_29 : vector<64x128xf32>
    %swap3A_31 = arith.constant 0 : index
    %swap3A_32 = arith.constant 0 : index
    %swap3A_33 = vector.load %arg24[%swap3A_31, %swap3A_32] : memref<64x128xf32, #tpu.memory_space<vmem>>, vector<64x128xf32>
    tpu.vector_store %arg24[%swap3A_31, %swap3A_32], %add3A_30 {strides = array<i32>} : memref<64x128xf32, #tpu.memory_space<vmem>>, vector<64x128xf32>,
    %mul3A = arith.constant 1000 : i32
    %mul3A_34 = arith.muli %arg0, %mul3A : i32
    %get3A_35 = arith.index_cast %mul3A_34 : i32 to index
    %get3A_36 = memref.load %arg1[%get3A_35] : memref<10000xi32, #tpu.memory_space<smem>>
    %mul3A_37 = arith.constant 1000 : i32
    %mul3A_38 = arith.muli %arg0, %mul3A_37 : i32
    %add3A_39 = arith.constant 1000 : i32
    %add3A_40 = arith.addi %mul3A_38, %add3A_39 : i32
    %sub3A = arith.constant 1 : i32
    %sub3A_41 = arith.subi %add3A_40, %sub3A : i32
    %get3A_42 = arith.index_cast %sub3A_41 : i32 to index
    %get3A_43 = memref.load %arg1[%get3A_42] : memref<10000xi32, #tpu.memory_space<smem>>
    %get3A_44 = arith.constant 0 : index
    %get3A_45 = arith.constant 0 : index
    %get3A_46 = vector.load %arg3[%get3A_44, %get3A_45] : memref<1000x1xf32, #tpu.memory_space<vmem>>, vector<1000x1xf32>
    %add3A_47 = arith.constant 1 : i32
    %add3A_48 = arith.addi %get3A_43, %add3A_47 : i32
    %while3A = arith.constant 0 : i32
    %while3A_49 = arith.subi %add3A_48, %get3A_36 : i32
    %while3A_50 = arith.addi %get3A_36, %while3A_49 : i32
    %while3A_51 = arith.constant 1 : i32
    %while3A_52 = arith.divsi %while3A_49, %while3A_51 : i32
    %while3A_53 = arith.muli %while3A_52, %while3A_51 : i32
    %while3A_54 = arith.addi %get3A_36, %while3A_53 : i32
    %while3A_55 = arith.constant 1 : i32
    scf.for %while3A_62 = %get3A_36 to %while3A_54 step %while3A_55  : i32 {
      %convert_element_type3A_63 = arith.sitofp %while3A_62 : i32 to f32
      %eq3A_64 = vector.broadcast %convert_element_type3A_63 : f32 to vector<1000x1xf32>
      %eq3A_65 = arith.cmpf oeq, %get3A_46, %eq3A_64 : vector<1000x1xf32>
      %jit3A = arith.constant 0xFF800000 : f32
      %broadcast_in_dim3A_66 = vector.shape_cast %eq3A_65 : vector<1000x1xi1> to vector<1000x1xi1>
      %broadcast_in_dim3A_67 = vector.broadcast %broadcast_in_dim3A_66 : vector<1000x1xi1> to vector<1000x512xi1>
      %broadcast_in_dim3A_68 = vector.broadcast %jit3A : f32 to vector<1000x512xf32>
      %select_n3A = arith.select %broadcast_in_dim3A_67, %concatenate3A, %broadcast_in_dim3A_68 : vector<1000x512xi1>, vector<1000x512xf32>
      %reduce_max3A = arith.constant dense<0xFF800000> : vector<512xf32>
      %reduce_max3A_69 = vector.multi_reduction <maximumf>, %select_n3A, %reduce_max3A [0] : vector<1000x512xf32> to vector<512xf32>
      %broadcast_in_dim3A_70 = vector.shape_cast %reduce_max3A_69 : vector<512xf32> to vector<1x512xf32>
      %get3A_71 = arith.index_cast %while3A_62 : i32 to index
      %get3A_72 = arith.constant 0 : index
      %get3A_73 = vector.load %arg25[%get3A_71, %get3A_72] : memref<64x512xf32, #tpu.memory_space<vmem>>, vector<1x512xf32>
      %max3A = arith.maximumf %get3A_73, %broadcast_in_dim3A_70 : vector<1x512xf32>
      %swap3A_74 = arith.index_cast %while3A_62 : i32 to index
      %swap3A_75 = arith.constant 0 : index
      %swap3A_76 = vector.load %arg25[%swap3A_74, %swap3A_75] : memref<64x512xf32, #tpu.memory_space<vmem>>, vector<1x512xf32>
      tpu.vector_store %arg25[%swap3A_74, %swap3A_75], %max3A {strides = array<i32>} : memref<64x512xf32, #tpu.memory_space<vmem>>, vector<1x512xf32>,
    }
    %while3A_56 = arith.constant 1 : i32
    scf.for %while3A_62 = %while3A_54 to %while3A_50 step %while3A_56  : i32 {
      %convert_element_type3A_63 = arith.sitofp %while3A_62 : i32 to f32
      %eq3A_64 = vector.broadcast %convert_element_type3A_63 : f32 to vector<1000x1xf32>
      %eq3A_65 = arith.cmpf oeq, %get3A_46, %eq3A_64 : vector<1000x1xf32>
      %jit3A = arith.constant 0xFF800000 : f32
      %broadcast_in_dim3A_66 = vector.shape_cast %eq3A_65 : vector<1000x1xi1> to vector<1000x1xi1>
      %broadcast_in_dim3A_67 = vector.broadcast %broadcast_in_dim3A_66 : vector<1000x1xi1> to vector<1000x512xi1>
      %broadcast_in_dim3A_68 = vector.broadcast %jit3A : f32 to vector<1000x512xf32>
      %select_n3A = arith.select %broadcast_in_dim3A_67, %concatenate3A, %broadcast_in_dim3A_68 : vector<1000x512xi1>, vector<1000x512xf32>
      %reduce_max3A = arith.constant dense<0xFF800000> : vector<512xf32>
      %reduce_max3A_69 = vector.multi_reduction <maximumf>, %select_n3A, %reduce_max3A [0] : vector<1000x512xf32> to vector<512xf32>
      %broadcast_in_dim3A_70 = vector.shape_cast %reduce_max3A_69 : vector<512xf32> to vector<1x512xf32>
      %get3A_71 = arith.index_cast %while3A_62 : i32 to index
      %get3A_72 = arith.constant 0 : index
      %get3A_73 = vector.load %arg25[%get3A_71, %get3A_72] : memref<64x512xf32, #tpu.memory_space<vmem>>, vector<1x512xf32>
      %max3A = arith.maximumf %get3A_73, %broadcast_in_dim3A_70 : vector<1x512xf32>
      %swap3A_74 = arith.index_cast %while3A_62 : i32 to index
      %swap3A_75 = arith.constant 0 : index
      %swap3A_76 = vector.load %arg25[%swap3A_74, %swap3A_75] : memref<64x512xf32, #tpu.memory_space<vmem>>, vector<1x512xf32>
      tpu.vector_store %arg25[%swap3A_74, %swap3A_75], %max3A {strides = array<i32>} : memref<64x512xf32, #tpu.memory_space<vmem>>, vector<1x512xf32>,
    }
    %eq3A_57 = arith.constant 9 : i32
    %eq3A_58 = arith.cmpi eq, %arg0, %eq3A_57 : i32
    %convert_element_type3A_59 = arith.extui %eq3A_58 : i1 to i32
    %cond3A_60 = arith.constant 0 : i32
    %cond3A_61 = arith.cmpi ne, %convert_element_type3A_59, %cond3A_60 : i32
    scf.if %cond3A_61 {
      %get3A_62 = arith.constant 0 : index
      %get3A_63 = arith.constant 0 : index
      %get3A_64 = vector.load %arg24[%get3A_62, %get3A_63] : memref<64x128xf32, #tpu.memory_space<vmem>>, vector<64x1xf32>
      %get3A_65 = arith.constant 0 : index
      %get3A_66 = arith.constant 0 : index
      %get3A_67 = vector.load %arg23[%get3A_65, %get3A_66] : memref<64x512xf32, #tpu.memory_space<vmem>>, vector<64x512xf32>
      %max3A = arith.constant 1.000000e+00 : f32
      %max3A_68 = vector.broadcast %max3A : f32 to vector<64x1xf32>
      %max3A_69 = arith.maximumf %get3A_64, %max3A_68 : vector<64x1xf32>
      %div3A = vector.broadcast %max3A_69 : vector<64x1xf32> to vector<64x512xf32>
      %div3A_70 = arith.divf %get3A_67, %div3A : vector<64x512xf32>
      %get3A_71 = arith.constant 0 : index
      %get3A_72 = arith.constant 0 : index
      %get3A_73 = vector.load %arg25[%get3A_71, %get3A_72] : memref<64x512xf32, #tpu.memory_space<vmem>>, vector<64x512xf32>
      %is_finite3A = tpu.weird %get3A_73 : vector<64x512xf32> -> vector<64x512xi1>
      %is_finite3A_74 = arith.constant dense<true> : vector<64x512xi1>
      %is_finite3A_75 = arith.xori %is_finite3A, %is_finite3A_74 : vector<64x512xi1>
      %jit3A = arith.constant 0.000000e+00 : f32
      %broadcast_in_dim3A_76 = vector.broadcast %jit3A : f32 to vector<64x512xf32>
      %select_n3A = arith.select %is_finite3A_75, %get3A_73, %broadcast_in_dim3A_76 : vector<64x512xi1>, vector<64x512xf32>
      %concatenate3A_77 = tpu.concatenate %div3A_70, %select_n3A in 1 : vector<64x512xf32>, vector<64x512xf32> -> vector<64x1024xf32>
      %get3A_78 = arith.constant 0 : index
      %get3A_79 = arith.constant 0 : index
      %get3A_80 = vector.load %arg8[%get3A_78, %get3A_79] : memref<1024x256xf32, #tpu.memory_space<vmem>>, vector<1024x256xf32>
      %dot_general3A_81 = arith.constant dense<0.000000e+00> : vector<64x256xf32>
      %dot_general3A_82 = tpu.matmul %concatenate3A_77, %get3A_80, %dot_general3A_81 {dimension_numbers = #tpu.dot_dimension_numbers<[1], [0], [0], [1], [0, 0, 1, 1], [], []>, transpose_lhs_hint = false} : vector<64x1024xf32>, vector<1024x256xf32>, vector<64x256xf32> -> vector<64x256xf32>
      %get3A_83 = arith.constant 0 : index
      %get3A_84 = arith.constant 0 : index
      %get3A_85 = vector.load %arg9[%get3A_83, %get3A_84] : memref<1x256xf32, #tpu.memory_space<vmem>>, vector<1x256xf32>
      %add3A_86 = vector.broadcast %get3A_85 : vector<1x256xf32> to vector<64x256xf32>
      %add3A_87 = arith.addf %dot_general3A_82, %add3A_86 : vector<64x256xf32>
      %get3A_88 = arith.constant 0 : index
      %get3A_89 = arith.constant 0 : index
      %get3A_90 = vector.load %arg10[%get3A_88, %get3A_89] : memref<1x256xf32, #tpu.memory_space<vmem>>, vector<1x256xf32>
      %mul3A_91 = arith.constant 0.999994993 : f32
      %mul3A_92 = vector.broadcast %mul3A_91 : f32 to vector<1x256xf32>
      %mul3A_93 = arith.mulf %mul3A_92, %get3A_90 : vector<1x256xf32>
      %mul3A_94 = vector.broadcast %mul3A_93 : vector<1x256xf32> to vector<64x256xf32>
      %mul3A_95 = arith.mulf %add3A_87, %mul3A_94 : vector<64x256xf32>
      %get3A_96 = arith.constant 0 : index
      %get3A_97 = arith.constant 0 : index
      %get3A_98 = vector.load %arg11[%get3A_96, %get3A_97] : memref<1x256xf32, #tpu.memory_space<vmem>>, vector<1x256xf32>
      %add3A_99 = vector.broadcast %get3A_98 : vector<1x256xf32> to vector<64x256xf32>
      %add3A_100 = arith.addf %mul3A_95, %add3A_99 : vector<64x256xf32>
      %max3A_101 = arith.constant 0.000000e+00 : f32
      %max3A_102 = vector.broadcast %max3A_101 : f32 to vector<64x256xf32>
      %max3A_103 = arith.maximumf %add3A_100, %max3A_102 : vector<64x256xf32>
      %get3A_104 = arith.constant 0 : index
      %get3A_105 = arith.constant 0 : index
      %get3A_106 = vector.load %arg12[%get3A_104, %get3A_105] : memref<256x128xf32, #tpu.memory_space<vmem>>, vector<256x128xf32>
      %dot_general3A_107 = arith.constant dense<0.000000e+00> : vector<64x128xf32>
      %dot_general3A_108 = tpu.matmul %max3A_103, %get3A_106, %dot_general3A_107 {dimension_numbers = #tpu.dot_dimension_numbers<[1], [0], [0], [1], [0, 0, 1, 1], [], []>, transpose_lhs_hint = false} : vector<64x256xf32>, vector<256x128xf32>, vector<64x128xf32> -> vector<64x128xf32>
      %get3A_109 = arith.constant 0 : index
      %get3A_110 = arith.constant 0 : index
      %get3A_111 = vector.load %arg13[%get3A_109, %get3A_110] : memref<1x128xf32, #tpu.memory_space<vmem>>, vector<1x128xf32>
      %add3A_112 = vector.broadcast %get3A_111 : vector<1x128xf32> to vector<64x128xf32>
      %add3A_113 = arith.addf %dot_general3A_108, %add3A_112 : vector<64x128xf32>
      %get3A_114 = arith.constant 0 : index
      %get3A_115 = arith.constant 0 : index
      %get3A_116 = vector.load %arg14[%get3A_114, %get3A_115] : memref<1x128xf32, #tpu.memory_space<vmem>>, vector<1x128xf32>
      %mul3A_117 = arith.constant 0.999994993 : f32
      %mul3A_118 = vector.broadcast %mul3A_117 : f32 to vector<1x128xf32>
      %mul3A_119 = arith.mulf %mul3A_118, %get3A_116 : vector<1x128xf32>
      %mul3A_120 = vector.broadcast %mul3A_119 : vector<1x128xf32> to vector<64x128xf32>
      %mul3A_121 = arith.mulf %add3A_113, %mul3A_120 : vector<64x128xf32>
      %get3A_122 = arith.constant 0 : index
      %get3A_123 = arith.constant 0 : index
      %get3A_124 = vector.load %arg15[%get3A_122, %get3A_123] : memref<1x128xf32, #tpu.memory_space<vmem>>, vector<1x128xf32>
      %add3A_125 = vector.broadcast %get3A_124 : vector<1x128xf32> to vector<64x128xf32>
      %add3A_126 = arith.addf %mul3A_121, %add3A_125 : vector<64x128xf32>
      %max3A_127 = arith.constant 0.000000e+00 : f32
      %max3A_128 = vector.broadcast %max3A_127 : f32 to vector<64x128xf32>
      %max3A_129 = arith.maximumf %add3A_126, %max3A_128 : vector<64x128xf32>
      %get3A_130 = arith.constant 0 : index
      %get3A_131 = arith.constant 0 : index
      %get3A_132 = vector.load %arg16[%get3A_130, %get3A_131] : memref<128x64xf32, #tpu.memory_space<vmem>>, vector<128x64xf32>
      %dot_general3A_133 = arith.constant dense<0.000000e+00> : vector<64x64xf32>
      %dot_general3A_134 = tpu.matmul %max3A_129, %get3A_132, %dot_general3A_133 {dimension_numbers = #tpu.dot_dimension_numbers<[1], [0], [0], [1], [0, 0, 1, 1], [], []>, transpose_lhs_hint = false} : vector<64x128xf32>, vector<128x64xf32>, vector<64x64xf32> -> vector<64x64xf32>
      %get3A_135 = arith.constant 0 : index
      %get3A_136 = arith.constant 0 : index
      %get3A_137 = vector.load %arg17[%get3A_135, %get3A_136] : memref<1x64xf32, #tpu.memory_space<vmem>>, vector<1x64xf32>
      %add3A_138 = vector.broadcast %get3A_137 : vector<1x64xf32> to vector<64x64xf32>
      %add3A_139 = arith.addf %dot_general3A_134, %add3A_138 : vector<64x64xf32>
      %get3A_140 = arith.constant 0 : index
      %get3A_141 = arith.constant 0 : index
      %get3A_142 = vector.load %arg18[%get3A_140, %get3A_141] : memref<1x64xf32, #tpu.memory_space<vmem>>, vector<1x64xf32>
      %mul3A_143 = arith.constant 0.999994993 : f32
      %mul3A_144 = vector.broadcast %mul3A_143 : f32 to vector<1x64xf32>
      %mul3A_145 = arith.mulf %mul3A_144, %get3A_142 : vector<1x64xf32>
      %mul3A_146 = vector.broadcast %mul3A_145 : vector<1x64xf32> to vector<64x64xf32>
      %mul3A_147 = arith.mulf %add3A_139, %mul3A_146 : vector<64x64xf32>
      %get3A_148 = arith.constant 0 : index
      %get3A_149 = arith.constant 0 : index
      %get3A_150 = vector.load %arg19[%get3A_148, %get3A_149] : memref<1x64xf32, #tpu.memory_space<vmem>>, vector<1x64xf32>
      %add3A_151 = vector.broadcast %get3A_150 : vector<1x64xf32> to vector<64x64xf32>
      %add3A_152 = arith.addf %mul3A_147, %add3A_151 : vector<64x64xf32>
      %max3A_153 = arith.constant 0.000000e+00 : f32
      %max3A_154 = vector.broadcast %max3A_153 : f32 to vector<64x64xf32>
      %max3A_155 = arith.maximumf %add3A_152, %max3A_154 : vector<64x64xf32>
      %get3A_156 = arith.constant 0 : index
      %get3A_157 = arith.constant 0 : index
      %get3A_158 = vector.load %arg20[%get3A_156, %get3A_157] : memref<64x1xf32, #tpu.memory_space<vmem>>, vector<64x1xf32>
      %dot_general3A_159 = arith.constant dense<0.000000e+00> : vector<64x1xf32>
      %dot_general3A_160 = tpu.matmul %max3A_155, %get3A_158, %dot_general3A_159 {dimension_numbers = #tpu.dot_dimension_numbers<[1], [0], [0], [1], [0, 0, 1, 1], [], []>, transpose_lhs_hint = false} : vector<64x64xf32>, vector<64x1xf32>, vector<64x1xf32> -> vector<64x1xf32>
      %get3A_161 = arith.constant 0 : index
      %get3A_162 = arith.constant 0 : index
      %get3A_163 = vector.load %arg21[%get3A_161, %get3A_162] : memref<1x1xf32, #tpu.memory_space<vmem>>, vector<1x1xf32>
      %add3A_164 = vector.broadcast %get3A_163 : vector<1x1xf32> to vector<64x1xf32>
      %add3A_165 = arith.addf %dot_general3A_160, %add3A_164 : vector<64x1xf32>
      %swap3A_166 = arith.constant 0 : index
      %swap3A_167 = arith.constant 0 : index
      %swap3A_168 = vector.load %arg22[%swap3A_166, %swap3A_167] : memref<64x1xf32, #tpu.memory_space<vmem>>, vector<64x1xf32>
      tpu.vector_store %arg22[%swap3A_166, %swap3A_167], %add3A_165 {strides = array<i32>} : memref<64x1xf32, #tpu.memory_space<vmem>>, vector<64x1xf32>,
    } else {
    }
    return
  }
  func.func @transform_0(%arg0: i32) -> i32 {
    %c0_i32 = arith.constant 0 : i32
    %c0_i32_0 = arith.constant 0 : i32
    return %c0_i32 : i32
  }
  func.func @transform_1(%arg0: i32) -> (i32, i32) {
    %c0_i32 = arith.constant 0 : i32
    %c0_i32_0 = arith.constant 0 : i32
    return %arg0, %c0_i32 : i32, i32
  }
  func.func @transform_2(%arg0: i32) -> (i32, i32) {
    %c0_i32 = arith.constant 0 : i32
    %c0_i32_0 = arith.constant 0 : i32
    return %arg0, %c0_i32 : i32, i32
  }
  func.func @transform_3(%arg0: i32) -> (i32, i32) {
    %c0_i32 = arith.constant 0 : i32
    %c0_i32_0 = arith.constant 0 : i32
    return %arg0, %c0_i32 : i32, i32
  }
  func.func @transform_4(%arg0: i32) -> (i32, i32) {
    %c0_i32 = arith.constant 0 : i32
    %c0_i32_0 = arith.constant 0 : i32
    return %arg0, %c0_i32 : i32, i32
  }
  func.func @transform_5(%arg0: i32) -> (i32, i32) {
    %c0_i32 = arith.constant 0 : i32
    %c0_i32_0 = arith.constant 0 : i32
    return %arg0, %c0_i32 : i32, i32
  }
  func.func @transform_6(%arg0: i32) -> (i32, i32) {
    %c0_i32 = arith.constant 0 : i32
    %c0_i32_0 = arith.constant 0 : i32
    return %arg0, %c0_i32 : i32, i32
  }
  func.func @transform_7(%arg0: i32) -> (i32, i32) {
    %c0_i32 = arith.constant 0 : i32
    %c0_i32_0 = arith.constant 0 : i32
    %c0_i32_1 = arith.constant 0 : i32
    return %c0_i32, %c0_i32_0 : i32, i32
  }
  func.func @transform_8(%arg0: i32) -> (i32, i32) {
    %c0_i32 = arith.constant 0 : i32
    %c0_i32_0 = arith.constant 0 : i32
    %c0_i32_1 = arith.constant 0 : i32
    return %c0_i32, %c0_i32_0 : i32, i32
  }
  func.func @transform_9(%arg0: i32) -> (i32, i32) {
    %c0_i32 = arith.constant 0 : i32
    %c0_i32_0 = arith.constant 0 : i32
    %c0_i32_1 = arith.constant 0 : i32
    return %c0_i32, %c0_i32_0 : i32, i32
  }
  func.func @transform_10(%arg0: i32) -> (i32, i32) {
    %c0_i32 = arith.constant 0 : i32
    %c0_i32_0 = arith.constant 0 : i32
    %c0_i32_1 = arith.constant 0 : i32
    return %c0_i32, %c0_i32_0 : i32, i32
  }
  func.func @transform_11(%arg0: i32) -> (i32, i32) {
    %c0_i32 = arith.constant 0 : i32
    %c0_i32_0 = arith.constant 0 : i32
    %c0_i32_1 = arith.constant 0 : i32
    return %c0_i32, %c0_i32_0 : i32, i32
  }
  func.func @transform_12(%arg0: i32) -> (i32, i32) {
    %c0_i32 = arith.constant 0 : i32
    %c0_i32_0 = arith.constant 0 : i32
    %c0_i32_1 = arith.constant 0 : i32
    return %c0_i32, %c0_i32_0 : i32, i32
  }
  func.func @transform_13(%arg0: i32) -> (i32, i32) {
    %c0_i32 = arith.constant 0 : i32
    %c0_i32_0 = arith.constant 0 : i32
    %c0_i32_1 = arith.constant 0 : i32
    return %c0_i32, %c0_i32_0 : i32, i32
  }
  func.func @transform_14(%arg0: i32) -> (i32, i32) {
    %c0_i32 = arith.constant 0 : i32
    %c0_i32_0 = arith.constant 0 : i32
    %c0_i32_1 = arith.constant 0 : i32
    return %c0_i32, %c0_i32_0 : i32, i32
  }
  func.func @transform_15(%arg0: i32) -> (i32, i32) {
    %c0_i32 = arith.constant 0 : i32
    %c0_i32_0 = arith.constant 0 : i32
    %c0_i32_1 = arith.constant 0 : i32
    return %c0_i32, %c0_i32_0 : i32, i32
  }
  func.func @transform_16(%arg0: i32) -> (i32, i32) {
    %c0_i32 = arith.constant 0 : i32
    %c0_i32_0 = arith.constant 0 : i32
    %c0_i32_1 = arith.constant 0 : i32
    return %c0_i32, %c0_i32_0 : i32, i32
  }
  func.func @transform_17(%arg0: i32) -> (i32, i32) {
    %c0_i32 = arith.constant 0 : i32
    %c0_i32_0 = arith.constant 0 : i32
    %c0_i32_1 = arith.constant 0 : i32
    return %c0_i32, %c0_i32_0 : i32, i32
  }
  func.func @transform_18(%arg0: i32) -> (i32, i32) {
    %c0_i32 = arith.constant 0 : i32
    %c0_i32_0 = arith.constant 0 : i32
    %c0_i32_1 = arith.constant 0 : i32
    return %c0_i32, %c0_i32_0 : i32, i32
  }
  func.func @transform_19(%arg0: i32) -> (i32, i32) {
    %c0_i32 = arith.constant 0 : i32
    %c0_i32_0 = arith.constant 0 : i32
    %c0_i32_1 = arith.constant 0 : i32
    return %c0_i32, %c0_i32_0 : i32, i32
  }
  func.func @transform_20(%arg0: i32) -> (i32, i32) {
    %c0_i32 = arith.constant 0 : i32
    %c0_i32_0 = arith.constant 0 : i32
    %c0_i32_1 = arith.constant 0 : i32
    return %c0_i32, %c0_i32_0 : i32, i32
  }
  func.func @transform_21(%arg0: i32) -> (i32, i32) {
    %c0_i32 = arith.constant 0 : i32
    %c0_i32_0 = arith.constant 0 : i32
    %c0_i32_1 = arith.constant 0 : i32
    return %c0_i32, %c0_i32_0 : i32, i32
  }
  func.func @transform_22(%arg0: i32) -> (i32, i32) {
    %c0_i32 = arith.constant 0 : i32
    %c0_i32_0 = arith.constant 0 : i32
    %c0_i32_1 = arith.constant 0 : i32
    return %c0_i32, %c0_i32_0 : i32, i32
  }
  func.func @transform_23(%arg0: i32) -> (i32, i32) {
    %c0_i32 = arith.constant 0 : i32
    %c0_i32_0 = arith.constant 0 : i32
    %c0_i32_1 = arith.constant 0 : i32
    return %c0_i32, %c0_i32_0 : i32, i32
  }
  func.func @transform_24(%arg0: i32) -> (i32, i32) {
    %c0_i32 = arith.constant 0 : i32
    %c0_i32_0 = arith.constant 0 : i32
    %c0_i32_1 = arith.constant 0 : i32
    return %c0_i32, %c0_i32_0 : i32, i32
  }
}

</mosaic_0001>

<sc_bundles>
// kernel: kernel.12.cloned.1.call-start
scs
__scs_entry_jumppad:
0x0: {  	(pc) =	sbr.rel $0x88, $3  }
0x1: {  	(tag) =	ssettag $0x0;
	lr =	simm.s32 $0x1  }
0x2: {  	[smem:$0x3F6A] =	sst lr;
	_ =	strace $0xD0000000  }
0x3: {  	_ = 	snop  }
0x4: {  	_ = 	snop  }
0x5: {  	_ = 	snop  }
0x6: {  	_ = 	snop  }
0x7: {  	_ = 	snop  }
__scs_overlays_trampoline_lowered:
0x8: {  	[smem:$0x3F79] =	sst s0  }
0x9: {  	[smem:$0x3F7A] =	sst s1  }
0xa: {  	[smem:$0x3F7B] =	sst s2  }
0xb: {  	[smem:$0x3F7C] =	sst s3  }
0xc: {  	[smem:$0x3F7D] =	sst s4  }
0xd: {  	[smem:$0x3F7E] =	sst s5  }
0xe: {  	[smem:$0x3F7F] =	sst s6  }
0xf: {  	[smem:$0x3F80] =	sst s7  }
0x10: {  	[smem:$0x3F81] =	sst s8  }
0x11: {  	[smem:$0x3F82] =	sst s9;
	s0 =	simm.s32 @!p0 $0x0  }
0x12: {  	s1 =	sld [smem:$0x3F68];
	s0 =	simm.s32 @p0 $0x1  }
0x13: {  	[smem:$0x3F83] =	sst s0;
	s0 =	simm.s32 @!p1 $0x0  }
0x14: {  	s2 =	sld [smem:$0x3F67];
	s0 =	simm.s32 @p1 $0x1  }
0x15: {  	[smem:$0x3F84] =	sst s0;
	s0 =	simm.s32 @!p2 $0x0  }
0x16: {  	s3 =	sld [smem:$0x3FDB];
	s0 =	simm.s32 @p2 $0x1  }
0x17: {  	s4 =	simm.s32 $0x1BF5;
	[smem:$0x3F86] =	sst s0  }
0x18: {  	s0 =	sld [smem:$0x3F69];
	_ =	swait.ge [sflag:s4], $0x0  }
0x19: {  	s7 =	sld [smem:$0x3F6A]  }
0x1a: {  	s8 =	sadd.s32 $0xFFFFE003, lr  }
0x1b: {  	s9 =	sadd.s32 $0xFFFFFEF7, lr;
	s5 =	simm.s32 $0xFFFFFFFF;
	p2 =	slt.u32 s8, $0xFFFFF086  }
0x1c: {  	p1 =	slt.u32 s9, $0xF7A;
	s5 =	simm.s32 @!p2 $0x0  }
0x1d: {  	s5 =	simm.s32 @p1 $0x1;
	p0 =	seq.s32 s7, s2  }
0x1e: {  	s7 =	smul.u32 @!p0 $0xF7A, s2;
	p2 =	seq.s32 @!p0 s5, $0x0  }
0x1f: {  	s9 =	smul.u32 $0xF7A, s1;
	s8 =	simm.s32 @!p0 $0x1BF5;
	p2 =	por !p2, p0  }
0x20: {  	[sflag:s8] =	ssyncset.s32 @!p0 $0xFFFFF086;
	s6 =	sadd.s32 @!p0 s3, s7;
	s7 =	simm.s32 @!p0 $0x108  }
0x21: {  	s3 =	sadd.s32 s3, s9;
	s6 =	sadd.s32 @!p0 $0x88, s6;
	s7 =	simm.s32 @p2 $0x1082  }
0x22: {  	[simem:s7], [sflag:s8] =	dma.local @!p0 [hbm:s6], $0xF7A  }
0x23: {  	s9 =	sor.u32 $0xD0000000, s2;
	s6 =	simm.s32 $0x108;
	_ =	swait.ge @!p0 [sflag:s8], $0x0  }
0x24: {  	s3 =	sadd.s32 $0x88, s3;
	s6 =	simm.s32 @!p1 $0x1082;
	[sflag:s4] =	ssyncset.s32 $0xFFFFF086  }
0x25: {  	[simem:s6], [sflag:s4] =	dma.local [hbm:s3], $0xF7A  }
0x26: {  	[smem:$0x3F6A] =	sst s1;
	(tag) =	ssettag s2;
	_ =	strace s9  }
0x27: {  	s1 =	sld [smem:$0x3F7A]  }
0x28: {  	s2 =	sld [smem:$0x3F7B]  }
0x29: {  	s4 =	sld [smem:$0x3F7D]  }
0x2a: {  	p0 =	seq.s32 s5, $0x0;
	s5 =	sld [smem:$0x3F7E]  }
0x2b: {  	s6 =	sld [smem:$0x3F7F]  }
0x2c: {  	s7 =	sld [smem:$0x3F80]  }
0x2d: {  	s3 =	simm.s32 $0x108;
	s8 =	sld [smem:$0x3F81]  }
0x2e: {  	s3 =	simm.s32 @!p0 $0x1082;
	s9 =	sld [smem:$0x3F82]  }
0x2f: {  	lr =	sadd.s32 s0, s3;
	s0 =	sld [smem:$0x3F79]  }
0x30: {  	s3 =	sld [smem:$0x3F7C]  }
0x31: {  	[smem:$0x3F85] =	sst s10  }
0x32: {  	s10 =	sld [smem:$0x3F83];
	_ =	sdelay $0x3  }
0x33: {  	p0 =	seq.s32 s10, $0x1;
	s10 =	sld [smem:$0x3F85];
	_ =	sdelay $0x3  }
0x34: {  	[smem:$0x3F85] =	sst s10  }
0x35: {  	s10 =	sld [smem:$0x3F84];
	_ =	sdelay $0x3  }
0x36: {  	p1 =	seq.s32 s10, $0x1;
	s10 =	sld [smem:$0x3F85];
	_ =	sdelay $0x3  }
0x37: {  	[smem:$0x3F85] =	sst s10  }
0x38: {  	s10 =	sld [smem:$0x3F86]  }
0x39: {  	_ = 	snop;
	(pc) =	sbr.ind lr, $3  }
0x3a: {  	_ = 	snop  }
0x3b: {  	_ = 	snop  }
0x3c: {  	p2 =	seq.s32 s10, $0x1;
	s10 =	sld [smem:$0x3F85]  }
0x3d: {  	_ =	shalt  }
0x3e: {  	_ =	shalt  }
0x3f: {  	_ =	shalt  }
0x40: {  	_ =	shalt  }
0x41: {  	_ =	shalt  }
0x42: {  	_ =	shalt  }
0x43: {  	_ =	shalt  }
0x44: {  	_ =	shalt  }
0x45: {  	_ =	shalt  }
0x46: {  	_ =	shalt  }
0x47: {  	_ =	shalt  }
0x48: {  	_ =	shalt  }
0x49: {  	_ =	shalt  }
0x4a: {  	_ =	shalt  }
0x4b: {  	_ =	shalt  }
0x4c: {  	_ =	shalt  }
0x4d: {  	_ =	shalt  }
0x4e: {  	_ =	shalt  }
0x4f: {  	_ =	shalt  }
0x50: {  	_ =	shalt  }
0x51: {  	_ =	shalt  }
0x52: {  	_ =	shalt  }
0x53: {  	_ =	shalt  }
0x54: {  	_ =	shalt  }
0x55: {  	_ =	shalt  }
0x56: {  	_ =	shalt  }
0x57: {  	_ =	shalt  }
0x58: {  	_ =	shalt  }
0x59: {  	_ =	shalt  }
0x5a: {  	_ =	shalt  }
0x5b: {  	_ =	shalt  }
0x5c: {  	_ =	shalt  }
0x5d: {  	_ =	shalt  }
0x5e: {  	_ =	shalt  }
0x5f: {  	_ =	shalt  }
0x60: {  	_ =	shalt  }
0x61: {  	_ =	shalt  }
0x62: {  	_ =	shalt  }
0x63: {  	_ =	shalt  }
0x64: {  	_ =	shalt  }
0x65: {  	_ =	shalt  }
0x66: {  	_ =	shalt  }
0x67: {  	_ =	shalt  }
0x68: {  	_ =	shalt  }
0x69: {  	_ =	shalt  }
0x6a: {  	_ =	shalt  }
0x6b: {  	_ =	shalt  }
0x6c: {  	_ =	shalt  }
0x6d: {  	_ =	shalt  }
0x6e: {  	_ =	shalt  }
0x6f: {  	_ =	shalt  }
0x70: {  	_ =	shalt  }
0x71: {  	_ =	shalt  }
0x72: {  	_ =	shalt  }
0x73: {  	_ =	shalt  }
0x74: {  	_ =	shalt  }
0x75: {  	_ =	shalt  }
0x76: {  	_ =	shalt  }
0x77: {  	_ =	shalt  }
0x78: {  	_ =	shalt  }
0x79: {  	_ =	shalt  }
0x7a: {  	_ =	shalt  }
0x7b: {  	_ =	shalt  }
0x7c: {  	_ =	shalt  }
0x7d: {  	_ =	shalt  }
0x7e: {  	_ =	shalt  }
0x7f: {  	_ =	shalt  }
0x80: {  	_ =	shalt  }
0x81: {  	_ =	shalt  }
0x82: {  	_ =	shalt  }
0x83: {  	_ =	shalt  }
0x84: {  	_ =	shalt  }
0x85: {  	_ =	shalt  }
0x86: {  	_ =	shalt  }
0x87: {  	_ =	shalt  }
.Lfunc_end0:
.L_simem_size_0:
called_computation_lowered:
.L_overlay_start_0:
0x88: {  	s2 =	sld [smem:$0x3FD9]  }
0x89: {  	s3 =	sld [smem:$0x3FFE];
	_ =	sdelay $0x1  }
0x8a: {  	s1 =	srdreg.scid  }
0x8b: {  	s0 =	sand.u32 $0x1, s1  }
0x8c: {  	s16 =	sshll.u32 s0, $0xA;
	s2 =	sadd.s32 s3, s2  }
0x8d: {  	s2 =	sadd.s32 s2, s16  }
0x8e: {  	[smem:$0x3F91] =	sst s2  }
0x8f: {  	_ = 	snop  }
0x90: {  	(tm) =	ssettm $0x1  }
0x91: {  	s17 =	sld [smem:$0x3FFB];
	_ =	sdelay $0x3  }
0x92: {  	_ =	strace s17  }
0x93: {  	s2 =	sld [smem:$0x3FFC];
	_ =	sdelay $0x3  }
0x94: {  	_ =	strace s2  }
0x95: {  	s2 =	sld [smem:$0x3FFD];
	_ =	sdelay $0x3  }
0x96: {  	_ =	strace s2  }
0x97: {  	_ =	strace $0x8FFFFFFF  }
0x98: {  	s18 =	sld [smem:$0x3FDB];
	_ =	sdelay $0x1  }
0x99: {  	s19 =	simm.s32 $_scs_section_size  }
0x9a: {  	s4 =	simm.s32 $_size__tile_overlayer_lowered;
	s5 =	simm.s32 $_tile_overlayer_lowered  }
0x9b: {  	s22 =	simm.s32 $0x1BFF;
	s21 =	sshll.u32 s5, $0x1;
	s2 =	sadd.s32 s19, s18  }
0x9c: {  	s6 =	simm.s32 $0x0;
	s20 =	sshll.u32 s4, $0x1;
	s4 =	sadd.s32 s21, s2  }
0x9d: {  	[timem:s6], [sflag:s22] =	dma.local [hbm:s4], s20  }
0x9e: {  	_ =	swait.ge [sflag:s22], s20  }
0x9f: {  	s3 =	ssub.s32 $0x0, s20;
	[sflag:s22] =	ssyncset.done $0x0  }
0xa0: {  	[sflag:s22] =	ssyncadd.s32 s3;
	_ =	sdelay $0x1  }
0xa1: {  	s23 =	simm.s32 $0x1B8B  }
0xa2: {  	_ =	swait.ge [sflag:s23], $0x1  }
0xa3: {  	[sflag:s23] =	ssyncset.done $0x0  }
0xa4: {  	s25 =	simm.s32 $0x1B8E;
	s24 =	sld [smem:$0x3FFE];
	[sflag:s23] =	ssyncadd.s32 $0xFFFFFFFF  }
0xa5: {  	s26 =	simm.s32 $execute0_lowered;
	[smem:$0x3FD2] =	sst s25  }
0xa6: {  	s4 =	sshll.u32 s26, $0x1;
	_ =	strace $0x80000046;
	[dreg:$0x1] =	wrdreg $0xFFFFFFFF  }
0xa7: {  	s28 =	simm.s32 $_size_execute0_lowered;
	s2 =	sadd.s32 s2, s4;
	[dreg:$0x0] =	wrdreg $0x0  }
0xa8: {  	s4 =	sshll.u32 s28, $0x1;
	[dreg:$0x2] =	wrdreg s2  }
0xa9: {  	[dreg:$0x3] =	wrdreg s4  }
0xaa: {  	[dreg:$0x4] =	wrdreg $0xC0  }
0xab: {  	_ =	task [dreg:s6], $0x5FFFF  }
0xac: {  	[dreg:$0x1] =	wrdreg $0xFFFFFFFF  }
0xad: {  	[dreg:$0x0] =	wrdreg $0x60  }
0xae: {  	[dreg:$0x2] =	wrdreg s24  }
0xaf: {  	[dreg:$0x3] =	wrdreg $0x90000  }
0xb0: {  	[dreg:$0x4] =	wrdreg $0x9  }
0xb1: {  	_ =	task.clear_ibuf [dreg:s6], $0x5FFFF;
	_ =	strace $0x90000046  }
0xb2: {  	s29 =	simm.s32 $0x9;
	_ =	strace $0x80000048  }
0xb3: {  	_ =	swait.ge [sflag:s29], $0x1  }
0xb4: {  	[sflag:s29] =	ssyncadd.s32 $0xFFFFFFFF  }
0xb5: {  	_ =	strace $0x90000048  }
0xb6: {  	_ =	sfence  }
0xb7: {  	s30 =	sld [smem:$0x0];
	_ =	sdelay $0x2  }
0xb8: {  	s31 =	sshll.u32 s1, $0xD;
	s1 =	sshrl.u32 s1, $0x2  }
0xb9: {  	s3 =	sand.u32 $0x4000, s31;
	s1 =	sadd.s32 s1, s30  }
0xba: {  	s0 =	sor.u32 s3, s0;
	s1 =	sshll.u32 s1, $0x11  }
0xbb: {  	s0 =	sor.u32 s1, s0  }
0xbc: {  	s0 =	sadd.s32 $0x8F2B, s0  }
0xbd: {  	[sflag:s0] =	ssyncadd.remote.s32 $0x1  }
0xbe: {  	_ =	sfence.sel $0xFFFF  }
0xbf: {  	[dreg:$0x0] =	wrdreg $0xFFFFFFFF;
	(pc) =	sbr.abs _section_cstart, $3  }
0xc0: {  	[dreg:$0x1] =	wrdreg $0xFFFFFFFF  }
0xc1: {  	_ =	task.clear_ibuf [dreg:s6], $0x2FFFF;
	_ =	strace $0x9FFFFFFF  }
0xc2: {  	(tm) =	ssettm $0x7FFFFFFF  }
0xc3: {  	_ =	shalt  }
tec
execute0_lowered:
.L_overlay_start_1:
0x0: {  	(tag) =	ssettag $0x1  }
0x1: {  	s5 =	rddreg [dreg:$0x0]  }
0x2: {  	s2 =	rddreg [dreg:$0x1]  }
0x3: {  	s0 =	srdreg.scid;
	s1 =	rddreg [dreg:$0x2]  }
0x4: {  	s3 =	simm.s32 $0x0;
	s14 =	simm.s32 $0x80;
	s6 =	sand.u32 $0x1, s0  }
0x5: {  	s15 =	simm.s32 $0x5000;
	s0 =	stileid.u32;
	s4 =	smul.u32 $0x28000, s6  }
0x6: {  	s16 =	simm.s32 $0x1;
	s17 =	simm.s32 $0x2;
	s7 =	smul.u32 $0x2800, s0  }
0x7: {  	s18 =	simm.s32 $0x0;
	[smem:$0x7FF] =	sst s3;
	s8 =	smul.u32 $0x14000, s0  }
0x8: {  	s9 =	smul.u32 $0x140000, s6;
	_ =	strace $0x80000047;
	s6 =	ssub.s32 $0x2, s6  }
0x9: {  	s28 =	smul.u32 $0x50000, s0;
	s31 =	sshll.u32 s0, $0x6;
	s29 =	sshrl.u32 s6, $0x1  }
0xa: {  	s7 =	sadd.s32 s7, s4;
	s4 =	sadd.s32 $0x1E800, s5;
	s26 =	sshrl.u32 s8, $0x3  }
0xb: {  	s8 =	sadd.s32 s8, s9;
	s12 =	ssub.s32 s6, s29;
	s30 =	sshrl.u32 s28, $0x2  }
0xc: {  	s6 =	sor.u32 $0x1C03, s31;
	s7 =	sshrl.u32 s7, $0x3;
	s8 =	sshrl.u32 s8, $0x3  }
0xd: {  	s13 =	sadd.s32 s30, s2;
	s10 =	sadd.s32 s7, s5;
	s7 =	sadd.s32 s26, s5  }
0xe: {  	s11 =	sadd.s32 s8, s5;
	s5 =	sadd.s32 $0x45A00, s7;
	s7 =	sadd.s32 $0xA800, s10  }
0xf: {  	s8 =	sadd.s32 $0x14800, s10;
	s9 =	sadd.s32 $0x6DA00, s11;
	s10 =	smax.u32 s12, $0x1  }
0x10: {  	s11 =	sshrl.u32 s13, $0x3;
	s12 =	simm.s32 $0x3;
	s13 =	simm.s32 $0x2800  }
.LBB2_1:
0x11: {  	[spmem:s11], [sflag:s6] =	dma.local [hbm:s5], $0x2800  }
0x12: {  	_ =	swait.ge [sflag:s12], $0x2800  }
0x13: {  	[sflag:s12] =	ssyncset.done $0x0  }
0x14: {  	[sflag:s12] =	ssyncadd.s32 $0xFFFFD800  }
0x15: {  	[bflag:$0x0] =	sbarrier.arrive $0xFFFF  }
0x16: {  	[tilespmem:s3], [sflag:$0x3] =	stream.linear.gather [hbm4b:s7+s3], $0x2800, $0x38;
	[tilespmem:$0x1D000] =	vst v63  }
0x17: {  	_ =	swait.ge [sflag:s12], $0x2800  }
0x18: {  	[sflag:s12] =	ssyncset.done $0x0  }
0x19: {  	[sflag:s12] =	ssyncadd.s32 $0xFFFFD800  }
0x1a: {  	[tilespmem:s13], [sflag:$0x3] =	stream.linear.gather [hbm4b:s8+s3], $0x2800, $0x38;
	[tilespmem:$0x1D000] =	vst v63  }
0x1b: {  	_ =	swait.ge [sflag:s12], $0x2800  }
0x1c: {  	[sflag:s12] =	ssyncset.done $0x0  }
0x1d: {  	[sflag:s12] =	ssyncadd.s32 $0xFFFFD800  }
0x1e: {  	[tilespmem:s15], [sflag:$0x1] =	stream.indirect.gather [hbm4b:s4+s14], $0x80, s3, s14, $0xb8;
	[tilespmem:$0x1D000] =	vst v63  }
0x1f: {  	_ =	swait.ge [sflag:s16], $0x4000  }
0x20: {  	[sflag:s16] =	ssyncset.done $0x0  }
0x21: {  	[sflag:s16] =	ssyncadd.s32 $0xFFFFC000  }
0x22: {  	[spmem:s2] =	stream.indirect.scatter.add.f32 [tilespmem:s15], [sflag:$0x2], $0x80, s13, s14, $0xb8;
	[tilespmem:$0x1D000] =	vst v63  }
0x23: {  	_ =	swait.ge [sflag:s17], $0x4000  }
0x24: {  	[sflag:s17] =	ssyncset.done $0x0  }
0x25: {  	s19 =	simm.s32 $0x80;
	[sflag:s17] =	ssyncadd.s32 $0xFFFFC000  }
0x26: {  	[tilespmem:s15], [sflag:$0x1] =	stream.indirect.gather [hbm4b:s4+s14], $0x80, s19, s14, $0xb8;
	[tilespmem:$0x1D000] =	vst v63  }
0x27: {  	_ =	swait.ge [sflag:s16], $0x4000  }
0x28: {  	[sflag:s16] =	ssyncset.done $0x0  }
0x29: {  	s20 =	simm.s32 $0x2880;
	s19 =	simm.s32 $0x400;
	[sflag:s16] =	ssyncadd.s32 $0xFFFFC000  }
.LBB2_2:
0x2a: {  	[spmem:s2] =	stream.indirect.scatter.add.f32 [tilespmem:s15], [sflag:$0x2], $0x80, s20, s14, $0xb8;
	[tilespmem:$0x1D000] =	vst v63  }
0x2b: {  	s20 =	smov.u32 s19  }
0x2c: {  	p0 =	sne.s32 s19, $0x9E00;
	s19 =	sadd.s32 $0x200, s19;
	_ =	swait.ge [sflag:s17], $0x4000  }
0x2d: {  	[sflag:s17] =	ssyncset.done $0x0  }
.Ltmp0:
0x2e: {  	s20 =	sshra.s32 s20, $0x2;
	[sflag:s17] =	ssyncadd.s32 $0xFFFFC000;
	(pc) =	sbr.rel @p0 .LBB2_2-.Ltmp0, $4  }
0x2f: {  	[tilespmem:s15], [sflag:$0x1] =	stream.indirect.gather [hbm4b:s4+s14], $0x80, s20, s14, $0xb8;
	[tilespmem:$0x1D000] =	vst v63  }
0x30: {  	_ =	swait.ge [sflag:s16], $0x4000  }
0x31: {  	[sflag:s16] =	ssyncset.done $0x0  }
0x32: {  	s20 =	sadd.s32 $0x2800, s20;
	[sflag:s16] =	ssyncadd.s32 $0xFFFFC000  }
0x33: {  	[spmem:s2] =	stream.indirect.scatter.add.f32 [tilespmem:s15], [sflag:$0x2], $0x80, s20, s14, $0xb8;
	[tilespmem:$0x1D000] =	vst v63  }
0x34: {  	_ =	swait.ge [sflag:s17], $0x4000  }
0x35: {  	s18 =	sadd.s32 $0x1, s18;
	[sflag:s17] =	ssyncset.done $0x0  }
0x36: {  	p0 =	sne.s32 s18, s10;
	[sflag:s17] =	ssyncadd.s32 $0xFFFFC000  }
.Ltmp1:
0x37: {  	[bflag:$0x0] =	sbarrier.arrive $0xFFFF;
	(pc) =	sbr.rel @p0 .LBB2_1-.Ltmp1, $4  }
0x38: {  	[hbm:s9], [sflag:s6] =	dma.local [spmem:s11], $0x2800  }
0x39: {  	_ =	swait.ge [sflag:s12], $0x2800  }
0x3a: {  	[sflag:s12] =	ssyncset.done $0x0  }
0x3b: {  	[sflag:s12] =	ssyncadd.s32 $0xFFFFD800  }
0x3c: {  	_ =	sfence.sel $0x180000  }
0x3d: {  	[bflag:$0x0] =	sbarrier.arrive $0xFFFF  }
0x3e: {  	p0 =	sne.s32 s0, $0x0;
	_ =	strace $0x90000047  }
0x3f: {  	s0 =	sadd.s32 @!p0 $0x100000, s1;
	[bflag:$0x2] =	sbarrier.arrive $0xFFFF  }
0x40: {  	[sflag:s0] =	ssyncadd.tile.s32 @!p0 $0x1;
	_ =	shalt  }
.Lfunc_end2:
_tile_overlayer_lowered:
.L_overlay_start_2:
0x41: {  	(tag) =	ssettag $0x2  }
0x42: {  	s0 =	rddreg [dreg:$0x0];
	s2 =	stileid.u32  }
0x43: {  	s1 =	rddreg [dreg:$0x1];
	p0 =	sne.s32 s2, $0x0  }
0x44: {  	s3 =	rddreg [dreg:$0x2];
	[bflag:$0x3] =	sbarrier.arrive $0xFFFF;
	s2 =	simm.s32 @!p0 $0x1C03  }
0x45: {  	[timem:s3], [sflag:s2] =	dma.local @!p0 [hbm:s0], s1  }
0x46: {  	s0 =	simm.s32 @!p0 $0x3  }
0x47: {  	_ =	swait.ge @!p0 [sflag:s0], s1  }
0x48: {  	s1 =	ssub.s32 @!p0 $0x0, s1;
	[sflag:s0] =	ssyncset.done @!p0 $0x0  }
0x49: {  	[sflag:s0] =	ssyncadd.s32 @!p0 s1  }
0x4a: {  	[bflag:$0x3] =	sbarrier.arrive $0xFFFF  }
0x4b: {  	_ =	shalt  }

// kernel: kernel.15.cloned.1.call-start
scs
__scs_entry_jumppad:
0x0: {  	(pc) =	sbr.rel $0x88, $3  }
0x1: {  	(tag) =	ssettag $0x0;
	lr =	simm.s32 $0x1  }
0x2: {  	[smem:$0x3F6A] =	sst lr;
	_ =	strace $0xD0000000  }
0x3: {  	_ = 	snop  }
0x4: {  	_ = 	snop  }
0x5: {  	_ = 	snop  }
0x6: {  	_ = 	snop  }
0x7: {  	_ = 	snop  }
__scs_overlays_trampoline_lowered:
0x8: {  	[smem:$0x3F79] =	sst s0  }
0x9: {  	[smem:$0x3F7A] =	sst s1  }
0xa: {  	[smem:$0x3F7B] =	sst s2  }
0xb: {  	[smem:$0x3F7C] =	sst s3  }
0xc: {  	[smem:$0x3F7D] =	sst s4  }
0xd: {  	[smem:$0x3F7E] =	sst s5  }
0xe: {  	[smem:$0x3F7F] =	sst s6  }
0xf: {  	[smem:$0x3F80] =	sst s7  }
0x10: {  	[smem:$0x3F81] =	sst s8  }
0x11: {  	[smem:$0x3F82] =	sst s9;
	s0 =	simm.s32 @!p0 $0x0  }
0x12: {  	s1 =	sld [smem:$0x3F68];
	s0 =	simm.s32 @p0 $0x1  }
0x13: {  	[smem:$0x3F83] =	sst s0;
	s0 =	simm.s32 @!p1 $0x0  }
0x14: {  	s2 =	sld [smem:$0x3F67];
	s0 =	simm.s32 @p1 $0x1  }
0x15: {  	[smem:$0x3F84] =	sst s0;
	s0 =	simm.s32 @!p2 $0x0  }
0x16: {  	s3 =	sld [smem:$0x3FDB];
	s0 =	simm.s32 @p2 $0x1  }
0x17: {  	s4 =	simm.s32 $0x1BF5;
	[smem:$0x3F86] =	sst s0  }
0x18: {  	s0 =	sld [smem:$0x3F69];
	_ =	swait.ge [sflag:s4], $0x0  }
0x19: {  	s7 =	sld [smem:$0x3F6A]  }
0x1a: {  	s8 =	sadd.s32 $0xFFFFE003, lr  }
0x1b: {  	s9 =	sadd.s32 $0xFFFFFEF7, lr;
	s5 =	simm.s32 $0xFFFFFFFF;
	p2 =	slt.u32 s8, $0xFFFFF086  }
0x1c: {  	p1 =	slt.u32 s9, $0xF7A;
	s5 =	simm.s32 @!p2 $0x0  }
0x1d: {  	s5 =	simm.s32 @p1 $0x1;
	p0 =	seq.s32 s7, s2  }
0x1e: {  	s7 =	smul.u32 @!p0 $0xF7A, s2;
	p2 =	seq.s32 @!p0 s5, $0x0  }
0x1f: {  	s9 =	smul.u32 $0xF7A, s1;
	s8 =	simm.s32 @!p0 $0x1BF5;
	p2 =	por !p2, p0  }
0x20: {  	[sflag:s8] =	ssyncset.s32 @!p0 $0xFFFFF086;
	s6 =	sadd.s32 @!p0 s3, s7;
	s7 =	simm.s32 @!p0 $0x108  }
0x21: {  	s3 =	sadd.s32 s3, s9;
	s6 =	sadd.s32 @!p0 $0x88, s6;
	s7 =	simm.s32 @p2 $0x1082  }
0x22: {  	[simem:s7], [sflag:s8] =	dma.local @!p0 [hbm:s6], $0xF7A  }
0x23: {  	s9 =	sor.u32 $0xD0000000, s2;
	s6 =	simm.s32 $0x108;
	_ =	swait.ge @!p0 [sflag:s8], $0x0  }
0x24: {  	s3 =	sadd.s32 $0x88, s3;
	s6 =	simm.s32 @!p1 $0x1082;
	[sflag:s4] =	ssyncset.s32 $0xFFFFF086  }
0x25: {  	[simem:s6], [sflag:s4] =	dma.local [hbm:s3], $0xF7A  }
0x26: {  	[smem:$0x3F6A] =	sst s1;
	(tag) =	ssettag s2;
	_ =	strace s9  }
0x27: {  	s1 =	sld [smem:$0x3F7A]  }
0x28: {  	s2 =	sld [smem:$0x3F7B]  }
0x29: {  	s4 =	sld [smem:$0x3F7D]  }
0x2a: {  	p0 =	seq.s32 s5, $0x0;
	s5 =	sld [smem:$0x3F7E]  }
0x2b: {  	s6 =	sld [smem:$0x3F7F]  }
0x2c: {  	s7 =	sld [smem:$0x3F80]  }
0x2d: {  	s3 =	simm.s32 $0x108;
	s8 =	sld [smem:$0x3F81]  }
0x2e: {  	s3 =	simm.s32 @!p0 $0x1082;
	s9 =	sld [smem:$0x3F82]  }
0x2f: {  	lr =	sadd.s32 s0, s3;
	s0 =	sld [smem:$0x3F79]  }
0x30: {  	s3 =	sld [smem:$0x3F7C]  }
0x31: {  	[smem:$0x3F85] =	sst s10  }
0x32: {  	s10 =	sld [smem:$0x3F83];
	_ =	sdelay $0x3  }
0x33: {  	p0 =	seq.s32 s10, $0x1;
	s10 =	sld [smem:$0x3F85];
	_ =	sdelay $0x3  }
0x34: {  	[smem:$0x3F85] =	sst s10  }
0x35: {  	s10 =	sld [smem:$0x3F84];
	_ =	sdelay $0x3  }
0x36: {  	p1 =	seq.s32 s10, $0x1;
	s10 =	sld [smem:$0x3F85];
	_ =	sdelay $0x3  }
0x37: {  	[smem:$0x3F85] =	sst s10  }
0x38: {  	s10 =	sld [smem:$0x3F86]  }
0x39: {  	_ = 	snop;
	(pc) =	sbr.ind lr, $3  }
0x3a: {  	_ = 	snop  }
0x3b: {  	_ = 	snop  }
0x3c: {  	p2 =	seq.s32 s10, $0x1;
	s10 =	sld [smem:$0x3F85]  }
0x3d: {  	_ =	shalt  }
0x3e: {  	_ =	shalt  }
0x3f: {  	_ =	shalt  }
0x40: {  	_ =	shalt  }
0x41: {  	_ =	shalt  }
0x42: {  	_ =	shalt  }
0x43: {  	_ =	shalt  }
0x44: {  	_ =	shalt  }
0x45: {  	_ =	shalt  }
0x46: {  	_ =	shalt  }
0x47: {  	_ =	shalt  }
0x48: {  	_ =	shalt  }
0x49: {  	_ =	shalt  }
0x4a: {  	_ =	shalt  }
0x4b: {  	_ =	shalt  }
0x4c: {  	_ =	shalt  }
0x4d: {  	_ =	shalt  }
0x4e: {  	_ =	shalt  }
0x4f: {  	_ =	shalt  }
0x50: {  	_ =	shalt  }
0x51: {  	_ =	shalt  }
0x52: {  	_ =	shalt  }
0x53: {  	_ =	shalt  }
0x54: {  	_ =	shalt  }
0x55: {  	_ =	shalt  }
0x56: {  	_ =	shalt  }
0x57: {  	_ =	shalt  }
0x58: {  	_ =	shalt  }
0x59: {  	_ =	shalt  }
0x5a: {  	_ =	shalt  }
0x5b: {  	_ =	shalt  }
0x5c: {  	_ =	shalt  }
0x5d: {  	_ =	shalt  }
0x5e: {  	_ =	shalt  }
0x5f: {  	_ =	shalt  }
0x60: {  	_ =	shalt  }
0x61: {  	_ =	shalt  }
0x62: {  	_ =	shalt  }
0x63: {  	_ =	shalt  }
0x64: {  	_ =	shalt  }
0x65: {  	_ =	shalt  }
0x66: {  	_ =	shalt  }
0x67: {  	_ =	shalt  }
0x68: {  	_ =	shalt  }
0x69: {  	_ =	shalt  }
0x6a: {  	_ =	shalt  }
0x6b: {  	_ =	shalt  }
0x6c: {  	_ =	shalt  }
0x6d: {  	_ =	shalt  }
0x6e: {  	_ =	shalt  }
0x6f: {  	_ =	shalt  }
0x70: {  	_ =	shalt  }
0x71: {  	_ =	shalt  }
0x72: {  	_ =	shalt  }
0x73: {  	_ =	shalt  }
0x74: {  	_ =	shalt  }
0x75: {  	_ =	shalt  }
0x76: {  	_ =	shalt  }
0x77: {  	_ =	shalt  }
0x78: {  	_ =	shalt  }
0x79: {  	_ =	shalt  }
0x7a: {  	_ =	shalt  }
0x7b: {  	_ =	shalt  }
0x7c: {  	_ =	shalt  }
0x7d: {  	_ =	shalt  }
0x7e: {  	_ =	shalt  }
0x7f: {  	_ =	shalt  }
0x80: {  	_ =	shalt  }
0x81: {  	_ =	shalt  }
0x82: {  	_ =	shalt  }
0x83: {  	_ =	shalt  }
0x84: {  	_ =	shalt  }
0x85: {  	_ =	shalt  }
0x86: {  	_ =	shalt  }
0x87: {  	_ =	shalt  }
.Lfunc_end0:
.L_simem_size_0:
called_computation.1_lowered:
.L_overlay_start_0:
0x88: {  	s2 =	sld [smem:$0x3FD9]  }
0x89: {  	s3 =	sld [smem:$0x3FFE];
	_ =	sdelay $0x1  }
0x8a: {  	s1 =	srdreg.scid  }
0x8b: {  	s0 =	sand.u32 $0x1, s1  }
0x8c: {  	s16 =	sshll.u32 s0, $0xA;
	s2 =	sadd.s32 s3, s2  }
0x8d: {  	s2 =	sadd.s32 s2, s16  }
0x8e: {  	[smem:$0x3F91] =	sst s2  }
0x8f: {  	_ = 	snop  }
0x90: {  	(tm) =	ssettm $0x1  }
0x91: {  	s17 =	sld [smem:$0x3FFB];
	_ =	sdelay $0x3  }
0x92: {  	_ =	strace s17  }
0x93: {  	s2 =	sld [smem:$0x3FFC];
	_ =	sdelay $0x3  }
0x94: {  	_ =	strace s2  }
0x95: {  	s2 =	sld [smem:$0x3FFD];
	_ =	sdelay $0x3  }
0x96: {  	_ =	strace s2  }
0x97: {  	_ =	strace $0x8FFFFFFF  }
0x98: {  	s18 =	sld [smem:$0x3FDB];
	_ =	sdelay $0x1  }
0x99: {  	s19 =	simm.s32 $_scs_section_size  }
0x9a: {  	s4 =	simm.s32 $_size__tile_overlayer_lowered;
	s5 =	simm.s32 $_tile_overlayer_lowered  }
0x9b: {  	s22 =	simm.s32 $0x1BFF;
	s21 =	sshll.u32 s5, $0x1;
	s2 =	sadd.s32 s19, s18  }
0x9c: {  	s6 =	simm.s32 $0x0;
	s20 =	sshll.u32 s4, $0x1;
	s4 =	sadd.s32 s21, s2  }
0x9d: {  	[timem:s6], [sflag:s22] =	dma.local [hbm:s4], s20  }
0x9e: {  	_ =	swait.ge [sflag:s22], s20  }
0x9f: {  	s3 =	ssub.s32 $0x0, s20;
	[sflag:s22] =	ssyncset.done $0x0  }
0xa0: {  	[sflag:s22] =	ssyncadd.s32 s3;
	_ =	sdelay $0x1  }
0xa1: {  	s23 =	simm.s32 $0x1B8B  }
0xa2: {  	_ =	swait.ge [sflag:s23], $0x1  }
0xa3: {  	[sflag:s23] =	ssyncset.done $0x0  }
0xa4: {  	s25 =	simm.s32 $0x1B8E;
	s24 =	sld [smem:$0x3FFE];
	[sflag:s23] =	ssyncadd.s32 $0xFFFFFFFF  }
0xa5: {  	s26 =	simm.s32 $execute0_lowered;
	[smem:$0x3FD2] =	sst s25  }
0xa6: {  	s4 =	sshll.u32 s26, $0x1;
	_ =	strace $0x80000049;
	[dreg:$0x1] =	wrdreg $0xFFFFFFFF  }
0xa7: {  	s28 =	simm.s32 $_size_execute0_lowered;
	s2 =	sadd.s32 s2, s4;
	[dreg:$0x0] =	wrdreg $0x0  }
0xa8: {  	s4 =	sshll.u32 s28, $0x1;
	[dreg:$0x2] =	wrdreg s2  }
0xa9: {  	[dreg:$0x3] =	wrdreg s4  }
0xaa: {  	[dreg:$0x4] =	wrdreg $0xC0  }
0xab: {  	_ =	task [dreg:s6], $0x5FFFF  }
0xac: {  	[dreg:$0x1] =	wrdreg $0xFFFFFFFF  }
0xad: {  	[dreg:$0x0] =	wrdreg $0x60  }
0xae: {  	[dreg:$0x2] =	wrdreg s24  }
0xaf: {  	[dreg:$0x3] =	wrdreg $0x90000  }
0xb0: {  	[dreg:$0x4] =	wrdreg $0x9  }
0xb1: {  	_ =	task.clear_ibuf [dreg:s6], $0x5FFFF;
	_ =	strace $0x90000049  }
0xb2: {  	s29 =	simm.s32 $0x9;
	_ =	strace $0x8000004B  }
0xb3: {  	_ =	swait.ge [sflag:s29], $0x1  }
0xb4: {  	[sflag:s29] =	ssyncadd.s32 $0xFFFFFFFF  }
0xb5: {  	_ =	strace $0x9000004B  }
0xb6: {  	_ =	sfence  }
0xb7: {  	s30 =	sld [smem:$0x0];
	_ =	sdelay $0x2  }
0xb8: {  	s31 =	sshll.u32 s1, $0xD;
	s1 =	sshrl.u32 s1, $0x2  }
0xb9: {  	s3 =	sand.u32 $0x4000, s31;
	s1 =	sadd.s32 s1, s30  }
0xba: {  	s0 =	sor.u32 s3, s0;
	s1 =	sshll.u32 s1, $0x11  }
0xbb: {  	s0 =	sor.u32 s1, s0  }
0xbc: {  	s0 =	sadd.s32 $0x8F2B, s0  }
0xbd: {  	[sflag:s0] =	ssyncadd.remote.s32 $0x1  }
0xbe: {  	_ =	sfence.sel $0xFFFF  }
0xbf: {  	[dreg:$0x0] =	wrdreg $0xFFFFFFFF;
	(pc) =	sbr.abs _section_cstart, $3  }
0xc0: {  	[dreg:$0x1] =	wrdreg $0xFFFFFFFF  }
0xc1: {  	_ =	task.clear_ibuf [dreg:s6], $0x2FFFF;
	_ =	strace $0x9FFFFFFF  }
0xc2: {  	(tm) =	ssettm $0x7FFFFFFF  }
0xc3: {  	_ =	shalt  }
tec
execute0_lowered:
.L_overlay_start_1:
0x0: {  	(tag) =	ssettag $0x1  }
0x1: {  	s5 =	rddreg [dreg:$0x0]  }
0x2: {  	s2 =	rddreg [dreg:$0x1]  }
0x3: {  	s0 =	srdreg.scid;
	s1 =	rddreg [dreg:$0x2]  }
0x4: {  	s3 =	simm.s32 $0x0;
	s14 =	simm.s32 $0x80;
	s6 =	sand.u32 $0x1, s0  }
0x5: {  	s15 =	simm.s32 $0x5000;
	s0 =	stileid.u32;
	s4 =	smul.u32 $0x28000, s6  }
0x6: {  	s16 =	simm.s32 $0x1;
	s17 =	simm.s32 $0x2;
	s7 =	smul.u32 $0x2800, s0  }
0x7: {  	s18 =	simm.s32 $0x0;
	[smem:$0x7FF] =	sst s3;
	s8 =	smul.u32 $0x14000, s0  }
0x8: {  	s9 =	smul.u32 $0x140000, s6;
	_ =	strace $0x8000004A;
	s6 =	ssub.s32 $0x2, s6  }
0x9: {  	s28 =	smul.u32 $0x50000, s0;
	s31 =	sshll.u32 s0, $0x6;
	s29 =	sshrl.u32 s6, $0x1  }
0xa: {  	s7 =	sadd.s32 s7, s4;
	s4 =	sadd.s32 $0x1E800, s5;
	s26 =	sshrl.u32 s8, $0x3  }
0xb: {  	s8 =	sadd.s32 s8, s9;
	s12 =	ssub.s32 s6, s29;
	s30 =	sshrl.u32 s28, $0x2  }
0xc: {  	s6 =	sor.u32 $0x1C03, s31;
	s7 =	sshrl.u32 s7, $0x3;
	s8 =	sshrl.u32 s8, $0x3  }
0xd: {  	s13 =	sadd.s32 s30, s2;
	s10 =	sadd.s32 s7, s5;
	s7 =	sadd.s32 s26, s5  }
0xe: {  	s11 =	sadd.s32 s8, s5;
	s5 =	sadd.s32 $0x45A00, s7;
	s7 =	sadd.s32 $0xA800, s10  }
0xf: {  	s8 =	sadd.s32 $0x14800, s10;
	s9 =	sadd.s32 $0x6DA00, s11;
	s10 =	smax.u32 s12, $0x1  }
0x10: {  	s11 =	sshrl.u32 s13, $0x3;
	s12 =	simm.s32 $0x3;
	s13 =	simm.s32 $0x2800  }
.LBB2_1:
0x11: {  	[spmem:s11], [sflag:s6] =	dma.local [hbm:s5], $0x2800  }
0x12: {  	_ =	swait.ge [sflag:s12], $0x2800  }
0x13: {  	[sflag:s12] =	ssyncset.done $0x0  }
0x14: {  	[sflag:s12] =	ssyncadd.s32 $0xFFFFD800  }
0x15: {  	[bflag:$0x0] =	sbarrier.arrive $0xFFFF  }
0x16: {  	[tilespmem:s3], [sflag:$0x3] =	stream.linear.gather [hbm4b:s7+s3], $0x2800, $0x38;
	[tilespmem:$0x1D000] =	vst v63  }
0x17: {  	_ =	swait.ge [sflag:s12], $0x2800  }
0x18: {  	[sflag:s12] =	ssyncset.done $0x0  }
0x19: {  	[sflag:s12] =	ssyncadd.s32 $0xFFFFD800  }
0x1a: {  	[tilespmem:s13], [sflag:$0x3] =	stream.linear.gather [hbm4b:s8+s3], $0x2800, $0x38;
	[tilespmem:$0x1D000] =	vst v63  }
0x1b: {  	_ =	swait.ge [sflag:s12], $0x2800  }
0x1c: {  	[sflag:s12] =	ssyncset.done $0x0  }
0x1d: {  	[sflag:s12] =	ssyncadd.s32 $0xFFFFD800  }
0x1e: {  	[tilespmem:s15], [sflag:$0x1] =	stream.indirect.gather [hbm4b:s4+s14], $0x80, s3, s14, $0xb8;
	[tilespmem:$0x1D000] =	vst v63  }
0x1f: {  	_ =	swait.ge [sflag:s16], $0x4000  }
0x20: {  	[sflag:s16] =	ssyncset.done $0x0  }
0x21: {  	[sflag:s16] =	ssyncadd.s32 $0xFFFFC000  }
0x22: {  	[spmem:s2] =	stream.indirect.scatter.add.f32 [tilespmem:s15], [sflag:$0x2], $0x80, s13, s14, $0xb8;
	[tilespmem:$0x1D000] =	vst v63  }
0x23: {  	_ =	swait.ge [sflag:s17], $0x4000  }
0x24: {  	[sflag:s17] =	ssyncset.done $0x0  }
0x25: {  	s19 =	simm.s32 $0x80;
	[sflag:s17] =	ssyncadd.s32 $0xFFFFC000  }
0x26: {  	[tilespmem:s15], [sflag:$0x1] =	stream.indirect.gather [hbm4b:s4+s14], $0x80, s19, s14, $0xb8;
	[tilespmem:$0x1D000] =	vst v63  }
0x27: {  	_ =	swait.ge [sflag:s16], $0x4000  }
0x28: {  	[sflag:s16] =	ssyncset.done $0x0  }
0x29: {  	s20 =	simm.s32 $0x2880;
	s19 =	simm.s32 $0x400;
	[sflag:s16] =	ssyncadd.s32 $0xFFFFC000  }
.LBB2_2:
0x2a: {  	[spmem:s2] =	stream.indirect.scatter.add.f32 [tilespmem:s15], [sflag:$0x2], $0x80, s20, s14, $0xb8;
	[tilespmem:$0x1D000] =	vst v63  }
0x2b: {  	s20 =	smov.u32 s19  }
0x2c: {  	p0 =	sne.s32 s19, $0x9E00;
	s19 =	sadd.s32 $0x200, s19;
	_ =	swait.ge [sflag:s17], $0x4000  }
0x2d: {  	[sflag:s17] =	ssyncset.done $0x0  }
.Ltmp0:
0x2e: {  	s20 =	sshra.s32 s20, $0x2;
	[sflag:s17] =	ssyncadd.s32 $0xFFFFC000;
	(pc) =	sbr.rel @p0 .LBB2_2-.Ltmp0, $4  }
0x2f: {  	[tilespmem:s15], [sflag:$0x1] =	stream.indirect.gather [hbm4b:s4+s14], $0x80, s20, s14, $0xb8;
	[tilespmem:$0x1D000] =	vst v63  }
0x30: {  	_ =	swait.ge [sflag:s16], $0x4000  }
0x31: {  	[sflag:s16] =	ssyncset.done $0x0  }
0x32: {  	s20 =	sadd.s32 $0x2800, s20;
	[sflag:s16] =	ssyncadd.s32 $0xFFFFC000  }
0x33: {  	[spmem:s2] =	stream.indirect.scatter.add.f32 [tilespmem:s15], [sflag:$0x2], $0x80, s20, s14, $0xb8;
	[tilespmem:$0x1D000] =	vst v63  }
0x34: {  	_ =	swait.ge [sflag:s17], $0x4000  }
0x35: {  	s18 =	sadd.s32 $0x1, s18;
	[sflag:s17] =	ssyncset.done $0x0  }
0x36: {  	p0 =	sne.s32 s18, s10;
	[sflag:s17] =	ssyncadd.s32 $0xFFFFC000  }
.Ltmp1:
0x37: {  	[bflag:$0x0] =	sbarrier.arrive $0xFFFF;
	(pc) =	sbr.rel @p0 .LBB2_1-.Ltmp1, $4  }
0x38: {  	[hbm:s9], [sflag:s6] =	dma.local [spmem:s11], $0x2800  }
0x39: {  	_ =	swait.ge [sflag:s12], $0x2800  }
0x3a: {  	[sflag:s12] =	ssyncset.done $0x0  }
0x3b: {  	[sflag:s12] =	ssyncadd.s32 $0xFFFFD800  }
0x3c: {  	_ =	sfence.sel $0x180000  }
0x3d: {  	[bflag:$0x0] =	sbarrier.arrive $0xFFFF  }
0x3e: {  	p0 =	sne.s32 s0, $0x0;
	_ =	strace $0x9000004A  }
0x3f: {  	s0 =	sadd.s32 @!p0 $0x100000, s1;
	[bflag:$0x2] =	sbarrier.arrive $0xFFFF  }
0x40: {  	[sflag:s0] =	ssyncadd.tile.s32 @!p0 $0x1;
	_ =	shalt  }
.Lfunc_end2:
_tile_overlayer_lowered:
.L_overlay_start_2:
0x41: {  	(tag) =	ssettag $0x2  }
0x42: {  	s0 =	rddreg [dreg:$0x0];
	s2 =	stileid.u32  }
0x43: {  	s1 =	rddreg [dreg:$0x1];
	p0 =	sne.s32 s2, $0x0  }
0x44: {  	s3 =	rddreg [dreg:$0x2];
	[bflag:$0x3] =	sbarrier.arrive $0xFFFF;
	s2 =	simm.s32 @!p0 $0x1C03  }
0x45: {  	[timem:s3], [sflag:s2] =	dma.local @!p0 [hbm:s0], s1  }
0x46: {  	s0 =	simm.s32 @!p0 $0x3  }
0x47: {  	_ =	swait.ge @!p0 [sflag:s0], s1  }
0x48: {  	s1 =	ssub.s32 @!p0 $0x0, s1;
	[sflag:s0] =	ssyncset.done @!p0 $0x0  }
0x49: {  	[sflag:s0] =	ssyncadd.s32 @!p0 s1  }
0x4a: {  	[bflag:$0x3] =	sbarrier.arrive $0xFFFF  }
0x4b: {  	_ =	shalt  }

// kernel: kernel.18.cloned.1.call-start
scs
__scs_entry_jumppad:
0x0: {  	(pc) =	sbr.rel $0x88, $3  }
0x1: {  	(tag) =	ssettag $0x0;
	lr =	simm.s32 $0x1  }
0x2: {  	[smem:$0x3F6A] =	sst lr;
	_ =	strace $0xD0000000  }
0x3: {  	_ = 	snop  }
0x4: {  	_ = 	snop  }
0x5: {  	_ = 	snop  }
0x6: {  	_ = 	snop  }
0x7: {  	_ = 	snop  }
__scs_overlays_trampoline_lowered:
0x8: {  	[smem:$0x3F79] =	sst s0  }
0x9: {  	[smem:$0x3F7A] =	sst s1  }
0xa: {  	[smem:$0x3F7B] =	sst s2  }
0xb: {  	[smem:$0x3F7C] =	sst s3  }
0xc: {  	[smem:$0x3F7D] =	sst s4  }
0xd: {  	[smem:$0x3F7E] =	sst s5  }
0xe: {  	[smem:$0x3F7F] =	sst s6  }
0xf: {  	[smem:$0x3F80] =	sst s7  }
0x10: {  	[smem:$0x3F81] =	sst s8  }
0x11: {  	[smem:$0x3F82] =	sst s9;
	s0 =	simm.s32 @!p0 $0x0  }
0x12: {  	s1 =	sld [smem:$0x3F68];
	s0 =	simm.s32 @p0 $0x1  }
0x13: {  	[smem:$0x3F83] =	sst s0;
	s0 =	simm.s32 @!p1 $0x0  }
0x14: {  	s2 =	sld [smem:$0x3F67];
	s0 =	simm.s32 @p1 $0x1  }
0x15: {  	[smem:$0x3F84] =	sst s0;
	s0 =	simm.s32 @!p2 $0x0  }
0x16: {  	s3 =	sld [smem:$0x3FDB];
	s0 =	simm.s32 @p2 $0x1  }
0x17: {  	s4 =	simm.s32 $0x1BF5;
	[smem:$0x3F86] =	sst s0  }
0x18: {  	s0 =	sld [smem:$0x3F69];
	_ =	swait.ge [sflag:s4], $0x0  }
0x19: {  	s7 =	sld [smem:$0x3F6A]  }
0x1a: {  	s8 =	sadd.s32 $0xFFFFE003, lr  }
0x1b: {  	s9 =	sadd.s32 $0xFFFFFEF7, lr;
	s5 =	simm.s32 $0xFFFFFFFF;
	p2 =	slt.u32 s8, $0xFFFFF086  }
0x1c: {  	p1 =	slt.u32 s9, $0xF7A;
	s5 =	simm.s32 @!p2 $0x0  }
0x1d: {  	s5 =	simm.s32 @p1 $0x1;
	p0 =	seq.s32 s7, s2  }
0x1e: {  	s7 =	smul.u32 @!p0 $0xF7A, s2;
	p2 =	seq.s32 @!p0 s5, $0x0  }
0x1f: {  	s9 =	smul.u32 $0xF7A, s1;
	s8 =	simm.s32 @!p0 $0x1BF5;
	p2 =	por !p2, p0  }
0x20: {  	[sflag:s8] =	ssyncset.s32 @!p0 $0xFFFFF086;
	s6 =	sadd.s32 @!p0 s3, s7;
	s7 =	simm.s32 @!p0 $0x108  }
0x21: {  	s3 =	sadd.s32 s3, s9;
	s6 =	sadd.s32 @!p0 $0x88, s6;
	s7 =	simm.s32 @p2 $0x1082  }
0x22: {  	[simem:s7], [sflag:s8] =	dma.local @!p0 [hbm:s6], $0xF7A  }
0x23: {  	s9 =	sor.u32 $0xD0000000, s2;
	s6 =	simm.s32 $0x108;
	_ =	swait.ge @!p0 [sflag:s8], $0x0  }
0x24: {  	s3 =	sadd.s32 $0x88, s3;
	s6 =	simm.s32 @!p1 $0x1082;
	[sflag:s4] =	ssyncset.s32 $0xFFFFF086  }
0x25: {  	[simem:s6], [sflag:s4] =	dma.local [hbm:s3], $0xF7A  }
0x26: {  	[smem:$0x3F6A] =	sst s1;
	(tag) =	ssettag s2;
	_ =	strace s9  }
0x27: {  	s1 =	sld [smem:$0x3F7A]  }
0x28: {  	s2 =	sld [smem:$0x3F7B]  }
0x29: {  	s4 =	sld [smem:$0x3F7D]  }
0x2a: {  	p0 =	seq.s32 s5, $0x0;
	s5 =	sld [smem:$0x3F7E]  }
0x2b: {  	s6 =	sld [smem:$0x3F7F]  }
0x2c: {  	s7 =	sld [smem:$0x3F80]  }
0x2d: {  	s3 =	simm.s32 $0x108;
	s8 =	sld [smem:$0x3F81]  }
0x2e: {  	s3 =	simm.s32 @!p0 $0x1082;
	s9 =	sld [smem:$0x3F82]  }
0x2f: {  	lr =	sadd.s32 s0, s3;
	s0 =	sld [smem:$0x3F79]  }
0x30: {  	s3 =	sld [smem:$0x3F7C]  }
0x31: {  	[smem:$0x3F85] =	sst s10  }
0x32: {  	s10 =	sld [smem:$0x3F83];
	_ =	sdelay $0x3  }
0x33: {  	p0 =	seq.s32 s10, $0x1;
	s10 =	sld [smem:$0x3F85];
	_ =	sdelay $0x3  }
0x34: {  	[smem:$0x3F85] =	sst s10  }
0x35: {  	s10 =	sld [smem:$0x3F84];
	_ =	sdelay $0x3  }
0x36: {  	p1 =	seq.s32 s10, $0x1;
	s10 =	sld [smem:$0x3F85];
	_ =	sdelay $0x3  }
0x37: {  	[smem:$0x3F85] =	sst s10  }
0x38: {  	s10 =	sld [smem:$0x3F86]  }
0x39: {  	_ = 	snop;
	(pc) =	sbr.ind lr, $3  }
0x3a: {  	_ = 	snop  }
0x3b: {  	_ = 	snop  }
0x3c: {  	p2 =	seq.s32 s10, $0x1;
	s10 =	sld [smem:$0x3F85]  }
0x3d: {  	_ =	shalt  }
0x3e: {  	_ =	shalt  }
0x3f: {  	_ =	shalt  }
0x40: {  	_ =	shalt  }
0x41: {  	_ =	shalt  }
0x42: {  	_ =	shalt  }
0x43: {  	_ =	shalt  }
0x44: {  	_ =	shalt  }
0x45: {  	_ =	shalt  }
0x46: {  	_ =	shalt  }
0x47: {  	_ =	shalt  }
0x48: {  	_ =	shalt  }
0x49: {  	_ =	shalt  }
0x4a: {  	_ =	shalt  }
0x4b: {  	_ =	shalt  }
0x4c: {  	_ =	shalt  }
0x4d: {  	_ =	shalt  }
0x4e: {  	_ =	shalt  }
0x4f: {  	_ =	shalt  }
0x50: {  	_ =	shalt  }
0x51: {  	_ =	shalt  }
0x52: {  	_ =	shalt  }
0x53: {  	_ =	shalt  }
0x54: {  	_ =	shalt  }
0x55: {  	_ =	shalt  }
0x56: {  	_ =	shalt  }
0x57: {  	_ =	shalt  }
0x58: {  	_ =	shalt  }
0x59: {  	_ =	shalt  }
0x5a: {  	_ =	shalt  }
0x5b: {  	_ =	shalt  }
0x5c: {  	_ =	shalt  }
0x5d: {  	_ =	shalt  }
0x5e: {  	_ =	shalt  }
0x5f: {  	_ =	shalt  }
0x60: {  	_ =	shalt  }
0x61: {  	_ =	shalt  }
0x62: {  	_ =	shalt  }
0x63: {  	_ =	shalt  }
0x64: {  	_ =	shalt  }
0x65: {  	_ =	shalt  }
0x66: {  	_ =	shalt  }
0x67: {  	_ =	shalt  }
0x68: {  	_ =	shalt  }
0x69: {  	_ =	shalt  }
0x6a: {  	_ =	shalt  }
0x6b: {  	_ =	shalt  }
0x6c: {  	_ =	shalt  }
0x6d: {  	_ =	shalt  }
0x6e: {  	_ =	shalt  }
0x6f: {  	_ =	shalt  }
0x70: {  	_ =	shalt  }
0x71: {  	_ =	shalt  }
0x72: {  	_ =	shalt  }
0x73: {  	_ =	shalt  }
0x74: {  	_ =	shalt  }
0x75: {  	_ =	shalt  }
0x76: {  	_ =	shalt  }
0x77: {  	_ =	shalt  }
0x78: {  	_ =	shalt  }
0x79: {  	_ =	shalt  }
0x7a: {  	_ =	shalt  }
0x7b: {  	_ =	shalt  }
0x7c: {  	_ =	shalt  }
0x7d: {  	_ =	shalt  }
0x7e: {  	_ =	shalt  }
0x7f: {  	_ =	shalt  }
0x80: {  	_ =	shalt  }
0x81: {  	_ =	shalt  }
0x82: {  	_ =	shalt  }
0x83: {  	_ =	shalt  }
0x84: {  	_ =	shalt  }
0x85: {  	_ =	shalt  }
0x86: {  	_ =	shalt  }
0x87: {  	_ =	shalt  }
.Lfunc_end0:
.L_simem_size_0:
called_computation.2_lowered:
.L_overlay_start_0:
0x88: {  	s2 =	sld [smem:$0x3FD9]  }
0x89: {  	s3 =	sld [smem:$0x3FFE];
	_ =	sdelay $0x1  }
0x8a: {  	s1 =	srdreg.scid  }
0x8b: {  	s0 =	sand.u32 $0x1, s1  }
0x8c: {  	s16 =	sshll.u32 s0, $0xA;
	s2 =	sadd.s32 s3, s2  }
0x8d: {  	s2 =	sadd.s32 s2, s16  }
0x8e: {  	[smem:$0x3F91] =	sst s2  }
0x8f: {  	_ = 	snop  }
0x90: {  	(tm) =	ssettm $0x1  }
0x91: {  	s17 =	sld [smem:$0x3FFB];
	_ =	sdelay $0x3  }
0x92: {  	_ =	strace s17  }
0x93: {  	s2 =	sld [smem:$0x3FFC];
	_ =	sdelay $0x3  }
0x94: {  	_ =	strace s2  }
0x95: {  	s2 =	sld [smem:$0x3FFD];
	_ =	sdelay $0x3  }
0x96: {  	_ =	strace s2  }
0x97: {  	_ =	strace $0x8FFFFFFF  }
0x98: {  	s18 =	sld [smem:$0x3FDB];
	_ =	sdelay $0x1  }
0x99: {  	s19 =	simm.s32 $_scs_section_size  }
0x9a: {  	s4 =	simm.s32 $_size__tile_overlayer_lowered;
	s5 =	simm.s32 $_tile_overlayer_lowered  }
0x9b: {  	s22 =	simm.s32 $0x1BFF;
	s21 =	sshll.u32 s5, $0x1;
	s2 =	sadd.s32 s19, s18  }
0x9c: {  	s6 =	simm.s32 $0x0;
	s20 =	sshll.u32 s4, $0x1;
	s4 =	sadd.s32 s21, s2  }
0x9d: {  	[timem:s6], [sflag:s22] =	dma.local [hbm:s4], s20  }
0x9e: {  	_ =	swait.ge [sflag:s22], s20  }
0x9f: {  	s3 =	ssub.s32 $0x0, s20;
	[sflag:s22] =	ssyncset.done $0x0  }
0xa0: {  	[sflag:s22] =	ssyncadd.s32 s3;
	_ =	sdelay $0x1  }
0xa1: {  	s23 =	simm.s32 $0x1B8B  }
0xa2: {  	_ =	swait.ge [sflag:s23], $0x1  }
0xa3: {  	[sflag:s23] =	ssyncset.done $0x0  }
0xa4: {  	s25 =	simm.s32 $0x1B8E;
	s24 =	sld [smem:$0x3FFE];
	[sflag:s23] =	ssyncadd.s32 $0xFFFFFFFF  }
0xa5: {  	s26 =	simm.s32 $execute0_lowered;
	[smem:$0x3FD2] =	sst s25  }
0xa6: {  	s4 =	sshll.u32 s26, $0x1;
	_ =	strace $0x8000004C;
	[dreg:$0x1] =	wrdreg $0xFFFFFFFF  }
0xa7: {  	s28 =	simm.s32 $_size_execute0_lowered;
	s2 =	sadd.s32 s2, s4;
	[dreg:$0x0] =	wrdreg $0x0  }
0xa8: {  	s4 =	sshll.u32 s28, $0x1;
	[dreg:$0x2] =	wrdreg s2  }
0xa9: {  	[dreg:$0x3] =	wrdreg s4  }
0xaa: {  	[dreg:$0x4] =	wrdreg $0xC0  }
0xab: {  	_ =	task [dreg:s6], $0x5FFFF  }
0xac: {  	[dreg:$0x1] =	wrdreg $0xFFFFFFFF  }
0xad: {  	[dreg:$0x0] =	wrdreg $0x60  }
0xae: {  	[dreg:$0x2] =	wrdreg s24  }
0xaf: {  	[dreg:$0x3] =	wrdreg $0x90000  }
0xb0: {  	[dreg:$0x4] =	wrdreg $0x9  }
0xb1: {  	_ =	task.clear_ibuf [dreg:s6], $0x5FFFF;
	_ =	strace $0x9000004C  }
0xb2: {  	s29 =	simm.s32 $0x9;
	_ =	strace $0x8000004E  }
0xb3: {  	_ =	swait.ge [sflag:s29], $0x1  }
0xb4: {  	[sflag:s29] =	ssyncadd.s32 $0xFFFFFFFF  }
0xb5: {  	_ =	strace $0x9000004E  }
0xb6: {  	_ =	sfence  }
0xb7: {  	s30 =	sld [smem:$0x0];
	_ =	sdelay $0x2  }
0xb8: {  	s31 =	sshll.u32 s1, $0xD;
	s1 =	sshrl.u32 s1, $0x2  }
0xb9: {  	s3 =	sand.u32 $0x4000, s31;
	s1 =	sadd.s32 s1, s30  }
0xba: {  	s0 =	sor.u32 s3, s0;
	s1 =	sshll.u32 s1, $0x11  }
0xbb: {  	s0 =	sor.u32 s1, s0  }
0xbc: {  	s0 =	sadd.s32 $0x8F2B, s0  }
0xbd: {  	[sflag:s0] =	ssyncadd.remote.s32 $0x1  }
0xbe: {  	_ =	sfence.sel $0xFFFF  }
0xbf: {  	[dreg:$0x0] =	wrdreg $0xFFFFFFFF;
	(pc) =	sbr.abs _section_cstart, $3  }
0xc0: {  	[dreg:$0x1] =	wrdreg $0xFFFFFFFF  }
0xc1: {  	_ =	task.clear_ibuf [dreg:s6], $0x2FFFF;
	_ =	strace $0x9FFFFFFF  }
0xc2: {  	(tm) =	ssettm $0x7FFFFFFF  }
0xc3: {  	_ =	shalt  }
tec
execute0_lowered:
.L_overlay_start_1:
0x0: {  	(tag) =	ssettag $0x1  }
0x1: {  	s5 =	rddreg [dreg:$0x0]  }
0x2: {  	s2 =	rddreg [dreg:$0x1]  }
0x3: {  	s0 =	srdreg.scid;
	s1 =	rddreg [dreg:$0x2]  }
0x4: {  	s3 =	simm.s32 $0x0;
	s14 =	simm.s32 $0x80;
	s6 =	sand.u32 $0x1, s0  }
0x5: {  	s15 =	simm.s32 $0x5000;
	s0 =	stileid.u32;
	s4 =	smul.u32 $0x28000, s6  }
0x6: {  	s16 =	simm.s32 $0x1;
	s17 =	simm.s32 $0x2;
	s7 =	smul.u32 $0x2800, s0  }
0x7: {  	s18 =	simm.s32 $0x0;
	[smem:$0x7FF] =	sst s3;
	s8 =	smul.u32 $0x14000, s0  }
0x8: {  	s9 =	smul.u32 $0x140000, s6;
	_ =	strace $0x8000004D;
	s6 =	ssub.s32 $0x2, s6  }
0x9: {  	s28 =	smul.u32 $0x50000, s0;
	s31 =	sshll.u32 s0, $0x6;
	s29 =	sshrl.u32 s6, $0x1  }
0xa: {  	s7 =	sadd.s32 s7, s4;
	s4 =	sadd.s32 $0x1E800, s5;
	s26 =	sshrl.u32 s8, $0x3  }
0xb: {  	s8 =	sadd.s32 s8, s9;
	s12 =	ssub.s32 s6, s29;
	s30 =	sshrl.u32 s28, $0x2  }
0xc: {  	s6 =	sor.u32 $0x1C03, s31;
	s7 =	sshrl.u32 s7, $0x3;
	s8 =	sshrl.u32 s8, $0x3  }
0xd: {  	s13 =	sadd.s32 s30, s2;
	s10 =	sadd.s32 s7, s5;
	s7 =	sadd.s32 s26, s5  }
0xe: {  	s11 =	sadd.s32 s8, s5;
	s5 =	sadd.s32 $0x45A00, s7;
	s7 =	sadd.s32 $0xA800, s10  }
0xf: {  	s8 =	sadd.s32 $0x14800, s10;
	s9 =	sadd.s32 $0x6DA00, s11;
	s10 =	smax.u32 s12, $0x1  }
0x10: {  	s11 =	sshrl.u32 s13, $0x3;
	s12 =	simm.s32 $0x3;
	s13 =	simm.s32 $0x2800  }
.LBB2_1:
0x11: {  	[spmem:s11], [sflag:s6] =	dma.local [hbm:s5], $0x2800  }
0x12: {  	_ =	swait.ge [sflag:s12], $0x2800  }
0x13: {  	[sflag:s12] =	ssyncset.done $0x0  }
0x14: {  	[sflag:s12] =	ssyncadd.s32 $0xFFFFD800  }
0x15: {  	[bflag:$0x0] =	sbarrier.arrive $0xFFFF  }
0x16: {  	[tilespmem:s3], [sflag:$0x3] =	stream.linear.gather [hbm4b:s7+s3], $0x2800, $0x38;
	[tilespmem:$0x1D000] =	vst v63  }
0x17: {  	_ =	swait.ge [sflag:s12], $0x2800  }
0x18: {  	[sflag:s12] =	ssyncset.done $0x0  }
0x19: {  	[sflag:s12] =	ssyncadd.s32 $0xFFFFD800  }
0x1a: {  	[tilespmem:s13], [sflag:$0x3] =	stream.linear.gather [hbm4b:s8+s3], $0x2800, $0x38;
	[tilespmem:$0x1D000] =	vst v63  }
0x1b: {  	_ =	swait.ge [sflag:s12], $0x2800  }
0x1c: {  	[sflag:s12] =	ssyncset.done $0x0  }
0x1d: {  	[sflag:s12] =	ssyncadd.s32 $0xFFFFD800  }
0x1e: {  	[tilespmem:s15], [sflag:$0x1] =	stream.indirect.gather [hbm4b:s4+s14], $0x80, s3, s14, $0xb8;
	[tilespmem:$0x1D000] =	vst v63  }
0x1f: {  	_ =	swait.ge [sflag:s16], $0x4000  }
0x20: {  	[sflag:s16] =	ssyncset.done $0x0  }
0x21: {  	[sflag:s16] =	ssyncadd.s32 $0xFFFFC000  }
0x22: {  	[spmem:s2] =	stream.indirect.scatter.add.f32 [tilespmem:s15], [sflag:$0x2], $0x80, s13, s14, $0xb8;
	[tilespmem:$0x1D000] =	vst v63  }
0x23: {  	_ =	swait.ge [sflag:s17], $0x4000  }
0x24: {  	[sflag:s17] =	ssyncset.done $0x0  }
0x25: {  	s19 =	simm.s32 $0x80;
	[sflag:s17] =	ssyncadd.s32 $0xFFFFC000  }
0x26: {  	[tilespmem:s15], [sflag:$0x1] =	stream.indirect.gather [hbm4b:s4+s14], $0x80, s19, s14, $0xb8;
	[tilespmem:$0x1D000] =	vst v63  }
0x27: {  	_ =	swait.ge [sflag:s16], $0x4000  }
0x28: {  	[sflag:s16] =	ssyncset.done $0x0  }
0x29: {  	s20 =	simm.s32 $0x2880;
	s19 =	simm.s32 $0x400;
	[sflag:s16] =	ssyncadd.s32 $0xFFFFC000  }
.LBB2_2:
0x2a: {  	[spmem:s2] =	stream.indirect.scatter.add.f32 [tilespmem:s15], [sflag:$0x2], $0x80, s20, s14, $0xb8;
	[tilespmem:$0x1D000] =	vst v63  }
0x2b: {  	s20 =	smov.u32 s19  }
0x2c: {  	p0 =	sne.s32 s19, $0x9E00;
	s19 =	sadd.s32 $0x200, s19;
	_ =	swait.ge [sflag:s17], $0x4000  }
0x2d: {  	[sflag:s17] =	ssyncset.done $0x0  }
.Ltmp0:
0x2e: {  	s20 =	sshra.s32 s20, $0x2;
	[sflag:s17] =	ssyncadd.s32 $0xFFFFC000;
	(pc) =	sbr.rel @p0 .LBB2_2-.Ltmp0, $4  }
0x2f: {  	[tilespmem:s15], [sflag:$0x1] =	stream.indirect.gather [hbm4b:s4+s14], $0x80, s20, s14, $0xb8;
	[tilespmem:$0x1D000] =	vst v63  }
0x30: {  	_ =	swait.ge [sflag:s16], $0x4000  }
0x31: {  	[sflag:s16] =	ssyncset.done $0x0  }
0x32: {  	s20 =	sadd.s32 $0x2800, s20;
	[sflag:s16] =	ssyncadd.s32 $0xFFFFC000  }
0x33: {  	[spmem:s2] =	stream.indirect.scatter.add.f32 [tilespmem:s15], [sflag:$0x2], $0x80, s20, s14, $0xb8;
	[tilespmem:$0x1D000] =	vst v63  }
0x34: {  	_ =	swait.ge [sflag:s17], $0x4000  }
0x35: {  	s18 =	sadd.s32 $0x1, s18;
	[sflag:s17] =	ssyncset.done $0x0  }
0x36: {  	p0 =	sne.s32 s18, s10;
	[sflag:s17] =	ssyncadd.s32 $0xFFFFC000  }
.Ltmp1:
0x37: {  	[bflag:$0x0] =	sbarrier.arrive $0xFFFF;
	(pc) =	sbr.rel @p0 .LBB2_1-.Ltmp1, $4  }
0x38: {  	[hbm:s9], [sflag:s6] =	dma.local [spmem:s11], $0x2800  }
0x39: {  	_ =	swait.ge [sflag:s12], $0x2800  }
0x3a: {  	[sflag:s12] =	ssyncset.done $0x0  }
0x3b: {  	[sflag:s12] =	ssyncadd.s32 $0xFFFFD800  }
0x3c: {  	_ =	sfence.sel $0x180000  }
0x3d: {  	[bflag:$0x0] =	sbarrier.arrive $0xFFFF  }
0x3e: {  	p0 =	sne.s32 s0, $0x0;
	_ =	strace $0x9000004D  }
0x3f: {  	s0 =	sadd.s32 @!p0 $0x100000, s1;
	[bflag:$0x2] =	sbarrier.arrive $0xFFFF  }
0x40: {  	[sflag:s0] =	ssyncadd.tile.s32 @!p0 $0x1;
	_ =	shalt  }
.Lfunc_end2:
_tile_overlayer_lowered:
.L_overlay_start_2:
0x41: {  	(tag) =	ssettag $0x2  }
0x42: {  	s0 =	rddreg [dreg:$0x0];
	s2 =	stileid.u32  }
0x43: {  	s1 =	rddreg [dreg:$0x1];
	p0 =	sne.s32 s2, $0x0  }
0x44: {  	s3 =	rddreg [dreg:$0x2];
	[bflag:$0x3] =	sbarrier.arrive $0xFFFF;
	s2 =	simm.s32 @!p0 $0x1C03  }
0x45: {  	[timem:s3], [sflag:s2] =	dma.local @!p0 [hbm:s0], s1  }
0x46: {  	s0 =	simm.s32 @!p0 $0x3  }
0x47: {  	_ =	swait.ge @!p0 [sflag:s0], s1  }
0x48: {  	s1 =	ssub.s32 @!p0 $0x0, s1;
	[sflag:s0] =	ssyncset.done @!p0 $0x0  }
0x49: {  	[sflag:s0] =	ssyncadd.s32 @!p0 s1  }
0x4a: {  	[bflag:$0x3] =	sbarrier.arrive $0xFFFF  }
0x4b: {  	_ =	shalt  }

// kernel: kernel.21.cloned.1.call-start
scs
__scs_entry_jumppad:
0x0: {  	(pc) =	sbr.rel $0x88, $3  }
0x1: {  	(tag) =	ssettag $0x0;
	lr =	simm.s32 $0x1  }
0x2: {  	[smem:$0x3F6A] =	sst lr;
	_ =	strace $0xD0000000  }
0x3: {  	_ = 	snop  }
0x4: {  	_ = 	snop  }
0x5: {  	_ = 	snop  }
0x6: {  	_ = 	snop  }
0x7: {  	_ = 	snop  }
__scs_overlays_trampoline_lowered:
0x8: {  	[smem:$0x3F79] =	sst s0  }
0x9: {  	[smem:$0x3F7A] =	sst s1  }
0xa: {  	[smem:$0x3F7B] =	sst s2  }
0xb: {  	[smem:$0x3F7C] =	sst s3  }
0xc: {  	[smem:$0x3F7D] =	sst s4  }
0xd: {  	[smem:$0x3F7E] =	sst s5  }
0xe: {  	[smem:$0x3F7F] =	sst s6  }
0xf: {  	[smem:$0x3F80] =	sst s7  }
0x10: {  	[smem:$0x3F81] =	sst s8  }
0x11: {  	[smem:$0x3F82] =	sst s9;
	s0 =	simm.s32 @!p0 $0x0  }
0x12: {  	s1 =	sld [smem:$0x3F68];
	s0 =	simm.s32 @p0 $0x1  }
0x13: {  	[smem:$0x3F83] =	sst s0;
	s0 =	simm.s32 @!p1 $0x0  }
0x14: {  	s2 =	sld [smem:$0x3F67];
	s0 =	simm.s32 @p1 $0x1  }
0x15: {  	[smem:$0x3F84] =	sst s0;
	s0 =	simm.s32 @!p2 $0x0  }
0x16: {  	s3 =	sld [smem:$0x3FDB];
	s0 =	simm.s32 @p2 $0x1  }
0x17: {  	s4 =	simm.s32 $0x1BF5;
	[smem:$0x3F86] =	sst s0  }
0x18: {  	s0 =	sld [smem:$0x3F69];
	_ =	swait.ge [sflag:s4], $0x0  }
0x19: {  	s7 =	sld [smem:$0x3F6A]  }
0x1a: {  	s8 =	sadd.s32 $0xFFFFE003, lr  }
0x1b: {  	s9 =	sadd.s32 $0xFFFFFEF7, lr;
	s5 =	simm.s32 $0xFFFFFFFF;
	p2 =	slt.u32 s8, $0xFFFFF086  }
0x1c: {  	p1 =	slt.u32 s9, $0xF7A;
	s5 =	simm.s32 @!p2 $0x0  }
0x1d: {  	s5 =	simm.s32 @p1 $0x1;
	p0 =	seq.s32 s7, s2  }
0x1e: {  	s7 =	smul.u32 @!p0 $0xF7A, s2;
	p2 =	seq.s32 @!p0 s5, $0x0  }
0x1f: {  	s9 =	smul.u32 $0xF7A, s1;
	s8 =	simm.s32 @!p0 $0x1BF5;
	p2 =	por !p2, p0  }
0x20: {  	[sflag:s8] =	ssyncset.s32 @!p0 $0xFFFFF086;
	s6 =	sadd.s32 @!p0 s3, s7;
	s7 =	simm.s32 @!p0 $0x108  }
0x21: {  	s3 =	sadd.s32 s3, s9;
	s6 =	sadd.s32 @!p0 $0x88, s6;
	s7 =	simm.s32 @p2 $0x1082  }
0x22: {  	[simem:s7], [sflag:s8] =	dma.local @!p0 [hbm:s6], $0xF7A  }
0x23: {  	s9 =	sor.u32 $0xD0000000, s2;
	s6 =	simm.s32 $0x108;
	_ =	swait.ge @!p0 [sflag:s8], $0x0  }
0x24: {  	s3 =	sadd.s32 $0x88, s3;
	s6 =	simm.s32 @!p1 $0x1082;
	[sflag:s4] =	ssyncset.s32 $0xFFFFF086  }
0x25: {  	[simem:s6], [sflag:s4] =	dma.local [hbm:s3], $0xF7A  }
0x26: {  	[smem:$0x3F6A] =	sst s1;
	(tag) =	ssettag s2;
	_ =	strace s9  }
0x27: {  	s1 =	sld [smem:$0x3F7A]  }
0x28: {  	s2 =	sld [smem:$0x3F7B]  }
0x29: {  	s4 =	sld [smem:$0x3F7D]  }
0x2a: {  	p0 =	seq.s32 s5, $0x0;
	s5 =	sld [smem:$0x3F7E]  }
0x2b: {  	s6 =	sld [smem:$0x3F7F]  }
0x2c: {  	s7 =	sld [smem:$0x3F80]  }
0x2d: {  	s3 =	simm.s32 $0x108;
	s8 =	sld [smem:$0x3F81]  }
0x2e: {  	s3 =	simm.s32 @!p0 $0x1082;
	s9 =	sld [smem:$0x3F82]  }
0x2f: {  	lr =	sadd.s32 s0, s3;
	s0 =	sld [smem:$0x3F79]  }
0x30: {  	s3 =	sld [smem:$0x3F7C]  }
0x31: {  	[smem:$0x3F85] =	sst s10  }
0x32: {  	s10 =	sld [smem:$0x3F83];
	_ =	sdelay $0x3  }
0x33: {  	p0 =	seq.s32 s10, $0x1;
	s10 =	sld [smem:$0x3F85];
	_ =	sdelay $0x3  }
0x34: {  	[smem:$0x3F85] =	sst s10  }
0x35: {  	s10 =	sld [smem:$0x3F84];
	_ =	sdelay $0x3  }
0x36: {  	p1 =	seq.s32 s10, $0x1;
	s10 =	sld [smem:$0x3F85];
	_ =	sdelay $0x3  }
0x37: {  	[smem:$0x3F85] =	sst s10  }
0x38: {  	s10 =	sld [smem:$0x3F86]  }
0x39: {  	_ = 	snop;
	(pc) =	sbr.ind lr, $3  }
0x3a: {  	_ = 	snop  }
0x3b: {  	_ = 	snop  }
0x3c: {  	p2 =	seq.s32 s10, $0x1;
	s10 =	sld [smem:$0x3F85]  }
0x3d: {  	_ =	shalt  }
0x3e: {  	_ =	shalt  }
0x3f: {  	_ =	shalt  }
0x40: {  	_ =	shalt  }
0x41: {  	_ =	shalt  }
0x42: {  	_ =	shalt  }
0x43: {  	_ =	shalt  }
0x44: {  	_ =	shalt  }
0x45: {  	_ =	shalt  }
0x46: {  	_ =	shalt  }
0x47: {  	_ =	shalt  }
0x48: {  	_ =	shalt  }
0x49: {  	_ =	shalt  }
0x4a: {  	_ =	shalt  }
0x4b: {  	_ =	shalt  }
0x4c: {  	_ =	shalt  }
0x4d: {  	_ =	shalt  }
0x4e: {  	_ =	shalt  }
0x4f: {  	_ =	shalt  }
0x50: {  	_ =	shalt  }
0x51: {  	_ =	shalt  }
0x52: {  	_ =	shalt  }
0x53: {  	_ =	shalt  }
0x54: {  	_ =	shalt  }
0x55: {  	_ =	shalt  }
0x56: {  	_ =	shalt  }
0x57: {  	_ =	shalt  }
0x58: {  	_ =	shalt  }
0x59: {  	_ =	shalt  }
0x5a: {  	_ =	shalt  }
0x5b: {  	_ =	shalt  }
0x5c: {  	_ =	shalt  }
0x5d: {  	_ =	shalt  }
0x5e: {  	_ =	shalt  }
0x5f: {  	_ =	shalt  }
0x60: {  	_ =	shalt  }
0x61: {  	_ =	shalt  }
0x62: {  	_ =	shalt  }
0x63: {  	_ =	shalt  }
0x64: {  	_ =	shalt  }
0x65: {  	_ =	shalt  }
0x66: {  	_ =	shalt  }
0x67: {  	_ =	shalt  }
0x68: {  	_ =	shalt  }
0x69: {  	_ =	shalt  }
0x6a: {  	_ =	shalt  }
0x6b: {  	_ =	shalt  }
0x6c: {  	_ =	shalt  }
0x6d: {  	_ =	shalt  }
0x6e: {  	_ =	shalt  }
0x6f: {  	_ =	shalt  }
0x70: {  	_ =	shalt  }
0x71: {  	_ =	shalt  }
0x72: {  	_ =	shalt  }
0x73: {  	_ =	shalt  }
0x74: {  	_ =	shalt  }
0x75: {  	_ =	shalt  }
0x76: {  	_ =	shalt  }
0x77: {  	_ =	shalt  }
0x78: {  	_ =	shalt  }
0x79: {  	_ =	shalt  }
0x7a: {  	_ =	shalt  }
0x7b: {  	_ =	shalt  }
0x7c: {  	_ =	shalt  }
0x7d: {  	_ =	shalt  }
0x7e: {  	_ =	shalt  }
0x7f: {  	_ =	shalt  }
0x80: {  	_ =	shalt  }
0x81: {  	_ =	shalt  }
0x82: {  	_ =	shalt  }
0x83: {  	_ =	shalt  }
0x84: {  	_ =	shalt  }
0x85: {  	_ =	shalt  }
0x86: {  	_ =	shalt  }
0x87: {  	_ =	shalt  }
.Lfunc_end0:
.L_simem_size_0:
called_computation.3_lowered:
.L_overlay_start_0:
0x88: {  	s2 =	sld [smem:$0x3FD9]  }
0x89: {  	s3 =	sld [smem:$0x3FFE];
	_ =	sdelay $0x1  }
0x8a: {  	s1 =	srdreg.scid  }
0x8b: {  	s0 =	sand.u32 $0x1, s1  }
0x8c: {  	s16 =	sshll.u32 s0, $0xA;
	s2 =	sadd.s32 s3, s2  }
0x8d: {  	s2 =	sadd.s32 s2, s16  }
0x8e: {  	[smem:$0x3F91] =	sst s2  }
0x8f: {  	_ = 	snop  }
0x90: {  	(tm) =	ssettm $0x1  }
0x91: {  	s17 =	sld [smem:$0x3FFB];
	_ =	sdelay $0x3  }
0x92: {  	_ =	strace s17  }
0x93: {  	s2 =	sld [smem:$0x3FFC];
	_ =	sdelay $0x3  }
0x94: {  	_ =	strace s2  }
0x95: {  	s2 =	sld [smem:$0x3FFD];
	_ =	sdelay $0x3  }
0x96: {  	_ =	strace s2  }
0x97: {  	_ =	strace $0x8FFFFFFF  }
0x98: {  	s18 =	sld [smem:$0x3FDB];
	_ =	sdelay $0x1  }
0x99: {  	s19 =	simm.s32 $_scs_section_size  }
0x9a: {  	s4 =	simm.s32 $_size__tile_overlayer_lowered;
	s5 =	simm.s32 $_tile_overlayer_lowered  }
0x9b: {  	s22 =	simm.s32 $0x1BFF;
	s21 =	sshll.u32 s5, $0x1;
	s2 =	sadd.s32 s19, s18  }
0x9c: {  	s6 =	simm.s32 $0x0;
	s20 =	sshll.u32 s4, $0x1;
	s4 =	sadd.s32 s21, s2  }
0x9d: {  	[timem:s6], [sflag:s22] =	dma.local [hbm:s4], s20  }
0x9e: {  	_ =	swait.ge [sflag:s22], s20  }
0x9f: {  	s3 =	ssub.s32 $0x0, s20;
	[sflag:s22] =	ssyncset.done $0x0  }
0xa0: {  	[sflag:s22] =	ssyncadd.s32 s3;
	_ =	sdelay $0x1  }
0xa1: {  	s23 =	simm.s32 $0x1B8B  }
0xa2: {  	_ =	swait.ge [sflag:s23], $0x1  }
0xa3: {  	[sflag:s23] =	ssyncset.done $0x0  }
0xa4: {  	s25 =	simm.s32 $0x1B8E;
	s24 =	sld [smem:$0x3FFE];
	[sflag:s23] =	ssyncadd.s32 $0xFFFFFFFF  }
0xa5: {  	s26 =	simm.s32 $execute0_lowered;
	[smem:$0x3FD2] =	sst s25  }
0xa6: {  	s4 =	sshll.u32 s26, $0x1;
	_ =	strace $0x8000004F;
	[dreg:$0x1] =	wrdreg $0xFFFFFFFF  }
0xa7: {  	s28 =	simm.s32 $_size_execute0_lowered;
	s2 =	sadd.s32 s2, s4;
	[dreg:$0x0] =	wrdreg $0x0  }
0xa8: {  	s4 =	sshll.u32 s28, $0x1;
	[dreg:$0x2] =	wrdreg s2  }
0xa9: {  	[dreg:$0x3] =	wrdreg s4  }
0xaa: {  	[dreg:$0x4] =	wrdreg $0xC0  }
0xab: {  	_ =	task [dreg:s6], $0x5FFFF  }
0xac: {  	[dreg:$0x1] =	wrdreg $0xFFFFFFFF  }
0xad: {  	[dreg:$0x0] =	wrdreg $0x60  }
0xae: {  	[dreg:$0x2] =	wrdreg s24  }
0xaf: {  	[dreg:$0x3] =	wrdreg $0x90000  }
0xb0: {  	[dreg:$0x4] =	wrdreg $0x9  }
0xb1: {  	_ =	task.clear_ibuf [dreg:s6], $0x5FFFF;
	_ =	strace $0x9000004F  }
0xb2: {  	s29 =	simm.s32 $0x9;
	_ =	strace $0x80000051  }
0xb3: {  	_ =	swait.ge [sflag:s29], $0x1  }
0xb4: {  	[sflag:s29] =	ssyncadd.s32 $0xFFFFFFFF  }
0xb5: {  	_ =	strace $0x90000051  }
0xb6: {  	_ =	sfence  }
0xb7: {  	s30 =	sld [smem:$0x0];
	_ =	sdelay $0x2  }
0xb8: {  	s31 =	sshll.u32 s1, $0xD;
	s1 =	sshrl.u32 s1, $0x2  }
0xb9: {  	s3 =	sand.u32 $0x4000, s31;
	s1 =	sadd.s32 s1, s30  }
0xba: {  	s0 =	sor.u32 s3, s0;
	s1 =	sshll.u32 s1, $0x11  }
0xbb: {  	s0 =	sor.u32 s1, s0  }
0xbc: {  	s0 =	sadd.s32 $0x8F2B, s0  }
0xbd: {  	[sflag:s0] =	ssyncadd.remote.s32 $0x1  }
0xbe: {  	_ =	sfence.sel $0xFFFF  }
0xbf: {  	[dreg:$0x0] =	wrdreg $0xFFFFFFFF;
	(pc) =	sbr.abs _section_cstart, $3  }
0xc0: {  	[dreg:$0x1] =	wrdreg $0xFFFFFFFF  }
0xc1: {  	_ =	task.clear_ibuf [dreg:s6], $0x2FFFF;
	_ =	strace $0x9FFFFFFF  }
0xc2: {  	(tm) =	ssettm $0x7FFFFFFF  }
0xc3: {  	_ =	shalt  }
tec
execute0_lowered:
.L_overlay_start_1:
0x0: {  	(tag) =	ssettag $0x1  }
0x1: {  	s5 =	rddreg [dreg:$0x0]  }
0x2: {  	s2 =	rddreg [dreg:$0x1]  }
0x3: {  	s0 =	srdreg.scid;
	s1 =	rddreg [dreg:$0x2]  }
0x4: {  	s3 =	simm.s32 $0x0;
	s14 =	simm.s32 $0x80;
	s6 =	sand.u32 $0x1, s0  }
0x5: {  	s15 =	simm.s32 $0x5000;
	s0 =	stileid.u32;
	s4 =	smul.u32 $0x28000, s6  }
0x6: {  	s16 =	simm.s32 $0x1;
	s17 =	simm.s32 $0x2;
	s7 =	smul.u32 $0x2800, s0  }
0x7: {  	s18 =	simm.s32 $0x0;
	[smem:$0x7FF] =	sst s3;
	s8 =	smul.u32 $0x14000, s0  }
0x8: {  	s9 =	smul.u32 $0x140000, s6;
	_ =	strace $0x80000050;
	s6 =	ssub.s32 $0x2, s6  }
0x9: {  	s28 =	smul.u32 $0x50000, s0;
	s31 =	sshll.u32 s0, $0x6;
	s29 =	sshrl.u32 s6, $0x1  }
0xa: {  	s7 =	sadd.s32 s7, s4;
	s4 =	sadd.s32 $0x1E800, s5;
	s26 =	sshrl.u32 s8, $0x3  }
0xb: {  	s8 =	sadd.s32 s8, s9;
	s12 =	ssub.s32 s6, s29;
	s30 =	sshrl.u32 s28, $0x2  }
0xc: {  	s6 =	sor.u32 $0x1C03, s31;
	s7 =	sshrl.u32 s7, $0x3;
	s8 =	sshrl.u32 s8, $0x3  }
0xd: {  	s13 =	sadd.s32 s30, s2;
	s10 =	sadd.s32 s7, s5;
	s7 =	sadd.s32 s26, s5  }
0xe: {  	s11 =	sadd.s32 s8, s5;
	s5 =	sadd.s32 $0x45A00, s7;
	s7 =	sadd.s32 $0xA800, s10  }
0xf: {  	s8 =	sadd.s32 $0x14800, s10;
	s9 =	sadd.s32 $0x6DA00, s11;
	s10 =	smax.u32 s12, $0x1  }
0x10: {  	s11 =	sshrl.u32 s13, $0x3;
	s12 =	simm.s32 $0x3;
	s13 =	simm.s32 $0x2800  }
.LBB2_1:
0x11: {  	[spmem:s11], [sflag:s6] =	dma.local [hbm:s5], $0x2800  }
0x12: {  	_ =	swait.ge [sflag:s12], $0x2800  }
0x13: {  	[sflag:s12] =	ssyncset.done $0x0  }
0x14: {  	[sflag:s12] =	ssyncadd.s32 $0xFFFFD800  }
0x15: {  	[bflag:$0x0] =	sbarrier.arrive $0xFFFF  }
0x16: {  	[tilespmem:s3], [sflag:$0x3] =	stream.linear.gather [hbm4b:s7+s3], $0x2800, $0x38;
	[tilespmem:$0x1D000] =	vst v63  }
0x17: {  	_ =	swait.ge [sflag:s12], $0x2800  }
0x18: {  	[sflag:s12] =	ssyncset.done $0x0  }
0x19: {  	[sflag:s12] =	ssyncadd.s32 $0xFFFFD800  }
0x1a: {  	[tilespmem:s13], [sflag:$0x3] =	stream.linear.gather [hbm4b:s8+s3], $0x2800, $0x38;
	[tilespmem:$0x1D000] =	vst v63  }
0x1b: {  	_ =	swait.ge [sflag:s12], $0x2800  }
0x1c: {  	[sflag:s12] =	ssyncset.done $0x0  }
0x1d: {  	[sflag:s12] =	ssyncadd.s32 $0xFFFFD800  }
0x1e: {  	[tilespmem:s15], [sflag:$0x1] =	stream.indirect.gather [hbm4b:s4+s14], $0x80, s3, s14, $0xb8;
	[tilespmem:$0x1D000] =	vst v63  }
0x1f: {  	_ =	swait.ge [sflag:s16], $0x4000  }
0x20: {  	[sflag:s16] =	ssyncset.done $0x0  }
0x21: {  	[sflag:s16] =	ssyncadd.s32 $0xFFFFC000  }
0x22: {  	[spmem:s2] =	stream.indirect.scatter.add.f32 [tilespmem:s15], [sflag:$0x2], $0x80, s13, s14, $0xb8;
	[tilespmem:$0x1D000] =	vst v63  }
0x23: {  	_ =	swait.ge [sflag:s17], $0x4000  }
0x24: {  	[sflag:s17] =	ssyncset.done $0x0  }
0x25: {  	s19 =	simm.s32 $0x80;
	[sflag:s17] =	ssyncadd.s32 $0xFFFFC000  }
0x26: {  	[tilespmem:s15], [sflag:$0x1] =	stream.indirect.gather [hbm4b:s4+s14], $0x80, s19, s14, $0xb8;
	[tilespmem:$0x1D000] =	vst v63  }
0x27: {  	_ =	swait.ge [sflag:s16], $0x4000  }
0x28: {  	[sflag:s16] =	ssyncset.done $0x0  }
0x29: {  	s20 =	simm.s32 $0x2880;
	s19 =	simm.s32 $0x400;
	[sflag:s16] =	ssyncadd.s32 $0xFFFFC000  }
.LBB2_2:
0x2a: {  	[spmem:s2] =	stream.indirect.scatter.add.f32 [tilespmem:s15], [sflag:$0x2], $0x80, s20, s14, $0xb8;
	[tilespmem:$0x1D000] =	vst v63  }
0x2b: {  	s20 =	smov.u32 s19  }
0x2c: {  	p0 =	sne.s32 s19, $0x9E00;
	s19 =	sadd.s32 $0x200, s19;
	_ =	swait.ge [sflag:s17], $0x4000  }
0x2d: {  	[sflag:s17] =	ssyncset.done $0x0  }
.Ltmp0:
0x2e: {  	s20 =	sshra.s32 s20, $0x2;
	[sflag:s17] =	ssyncadd.s32 $0xFFFFC000;
	(pc) =	sbr.rel @p0 .LBB2_2-.Ltmp0, $4  }
0x2f: {  	[tilespmem:s15], [sflag:$0x1] =	stream.indirect.gather [hbm4b:s4+s14], $0x80, s20, s14, $0xb8;
	[tilespmem:$0x1D000] =	vst v63  }
0x30: {  	_ =	swait.ge [sflag:s16], $0x4000  }
0x31: {  	[sflag:s16] =	ssyncset.done $0x0  }
0x32: {  	s20 =	sadd.s32 $0x2800, s20;
	[sflag:s16] =	ssyncadd.s32 $0xFFFFC000  }
0x33: {  	[spmem:s2] =	stream.indirect.scatter.add.f32 [tilespmem:s15], [sflag:$0x2], $0x80, s20, s14, $0xb8;
	[tilespmem:$0x1D000] =	vst v63  }
0x34: {  	_ =	swait.ge [sflag:s17], $0x4000  }
0x35: {  	s18 =	sadd.s32 $0x1, s18;
	[sflag:s17] =	ssyncset.done $0x0  }
0x36: {  	p0 =	sne.s32 s18, s10;
	[sflag:s17] =	ssyncadd.s32 $0xFFFFC000  }
.Ltmp1:
0x37: {  	[bflag:$0x0] =	sbarrier.arrive $0xFFFF;
	(pc) =	sbr.rel @p0 .LBB2_1-.Ltmp1, $4  }
0x38: {  	[hbm:s9], [sflag:s6] =	dma.local [spmem:s11], $0x2800  }
0x39: {  	_ =	swait.ge [sflag:s12], $0x2800  }
0x3a: {  	[sflag:s12] =	ssyncset.done $0x0  }
0x3b: {  	[sflag:s12] =	ssyncadd.s32 $0xFFFFD800  }
0x3c: {  	_ =	sfence.sel $0x180000  }
0x3d: {  	[bflag:$0x0] =	sbarrier.arrive $0xFFFF  }
0x3e: {  	p0 =	sne.s32 s0, $0x0;
	_ =	strace $0x90000050  }
0x3f: {  	s0 =	sadd.s32 @!p0 $0x100000, s1;
	[bflag:$0x2] =	sbarrier.arrive $0xFFFF  }
0x40: {  	[sflag:s0] =	ssyncadd.tile.s32 @!p0 $0x1;
	_ =	shalt  }
.Lfunc_end2:
_tile_overlayer_lowered:
.L_overlay_start_2:
0x41: {  	(tag) =	ssettag $0x2  }
0x42: {  	s0 =	rddreg [dreg:$0x0];
	s2 =	stileid.u32  }
0x43: {  	s1 =	rddreg [dreg:$0x1];
	p0 =	sne.s32 s2, $0x0  }
0x44: {  	s3 =	rddreg [dreg:$0x2];
	[bflag:$0x3] =	sbarrier.arrive $0xFFFF;
	s2 =	simm.s32 @!p0 $0x1C03  }
0x45: {  	[timem:s3], [sflag:s2] =	dma.local @!p0 [hbm:s0], s1  }
0x46: {  	s0 =	simm.s32 @!p0 $0x3  }
0x47: {  	_ =	swait.ge @!p0 [sflag:s0], s1  }
0x48: {  	s1 =	ssub.s32 @!p0 $0x0, s1;
	[sflag:s0] =	ssyncset.done @!p0 $0x0  }
0x49: {  	[sflag:s0] =	ssyncadd.s32 @!p0 s1  }
0x4a: {  	[bflag:$0x3] =	sbarrier.arrive $0xFFFF  }
0x4b: {  	_ =	shalt  }

</sc_bundles>
